<compile_context>
chip_gen: v7x
topology: tpu7x:2x2x1
jax: 0.10.2.dev20260603
libtpu: 0.0.44.dev20260713+nightly
codegen_flags: <defaults>
</compile_context>

<pallas_src>
import functools
import math

import jax
import jax.numpy as jnp
from jax import lax
from jax.experimental import pallas as pl
from jax.experimental.pallas import tpu as pltpu
from jax.experimental.pallas import tpu_sc as plsc

L = 2048
HID = 1024
HEADS = 16
HD = HID // HEADS
KVR = 128
NE = 64
FF = 512

BLK = 128
NBLK = 96
PADROWS = NBLK * BLK
LBLK = 128
NLB = L // LBLK
ABLK = 512
NAB = L // ABLK
_TRI = [(r, c) for r in range(NAB) for c in range(r + 1)]
NTRI = len(_TRI)


def _rms(v, w):
    return w * (v * lax.rsqrt(jnp.mean(v * v, axis=-1, keepdims=True) + 1e-6))


def _silu(a):
    return a * (1.0 / (1.0 + jnp.exp(-a)))



def _proj_body(x_ref, ln1_ref, qw_ref, kvd_ref, kvn_ref, kvu_ref,
               q_ref, k_ref, v_ref):
    hx = _rms(x_ref[...], ln1_ref[...])
    q_ref[...] = jnp.dot(hx, qw_ref[...], preferred_element_type=jnp.float32
                         ) * (1.0 / math.sqrt(HD))
    lkv = _rms(jnp.dot(hx, kvd_ref[...], preferred_element_type=jnp.float32),
               kvn_ref[...])
    kv = jnp.dot(lkv, kvu_ref[...], preferred_element_type=jnp.float32)
    k_ref[...] = kv[:, :HID]
    pad = jnp.concatenate([jnp.ones((LBLK, 1), jnp.float32),
                           jnp.zeros((LBLK, HD - 1), jnp.float32)], axis=1)
    vs = []
    for h in range(HEADS):
        vs.append(kv[:, HID + h * HD:HID + (h + 1) * HD])
        vs.append(pad)
    v_ref[...] = jnp.concatenate(vs, axis=1)


def _projections(x, ln1_w, q_w, kv_down_w, kv_norm_w, kv_up_w):
    return pl.pallas_call(
        _proj_body,
        grid=(NLB,),
        in_specs=[
            pl.BlockSpec((LBLK, HID), lambda i: (i, 0)),
            pl.BlockSpec((1, HID), lambda i: (0, 0)),
            pl.BlockSpec((HID, HID), lambda i: (0, 0)),
            pl.BlockSpec((HID, KVR), lambda i: (0, 0)),
            pl.BlockSpec((1, KVR), lambda i: (0, 0)),
            pl.BlockSpec((KVR, 2 * HID), lambda i: (0, 0)),
        ],
        out_specs=[
            pl.BlockSpec((LBLK, HID), lambda i: (i, 0)),
            pl.BlockSpec((LBLK, HID), lambda i: (i, 0)),
            pl.BlockSpec((LBLK, 2 * HID), lambda i: (i, 0)),
        ],
        out_shape=[jax.ShapeDtypeStruct((L, HID), jnp.float32),
                   jax.ShapeDtypeStruct((L, HID), jnp.float32),
                   jax.ShapeDtypeStruct((L, 2 * HID), jnp.float32)],
    )(x, ln1_w.reshape(1, HID), q_w, kv_down_w, kv_norm_w.reshape(1, KVR),
      kv_up_w)



def _attn_body(rbs_ref, cbs_ref, bias_ref, q_ref, k_ref, v_ref, o_ref,
               acc_s):
    t = pl.program_id(1)
    rb = rbs_ref[t]
    cb = cbs_ref[t]
    first = cb == 0
    last = cb == rb
    bias = bias_ref[0]
    qb = q_ref[...]
    kb = k_ref[...]
    vb = v_ref[...]
    W = 2 * HD
    for hh in range(2):
        qh = qb[:, hh * HD:(hh + 1) * HD]
        kh = kb[:, hh * HD:(hh + 1) * HD]
        s = lax.dot_general(qh, kh, (((1,), (1,)), ((), ())),
                            preferred_element_type=jnp.float32)
        e = jnp.exp(s + bias)
        pv = jnp.dot(e, vb[:, hh * W:(hh + 1) * W],
                     preferred_element_type=jnp.float32)
        accnew = jnp.where(first, 0.0, acc_s[:, hh * W:(hh + 1) * W]) + pv
        acc_s[:, hh * W:(hh + 1) * W] = accnew

        @pl.when(last)
        def _():
            o_ref[:, hh * HD:(hh + 1) * HD] = (
                accnew[:, :HD] / accnew[:, HD:HD + 1])


def _attention(q, k, v):
    rbs = jnp.array([r for r, _ in _TRI], jnp.int32)
    cbs = jnp.array([c for _, c in _TRI], jnp.int32)
    lj = lax.broadcasted_iota(jnp.int32, (ABLK, ABLK), 1)
    li = lax.broadcasted_iota(jnp.int32, (ABLK, ABLK), 0)
    bias = jnp.stack([jnp.zeros((ABLK, ABLK), jnp.float32),
                      jnp.where(lj > li, -1e30, 0.0)])
    grid_spec = pltpu.PrefetchScalarGridSpec(
        num_scalar_prefetch=2,
        grid=(HEADS // 2, NTRI),
        in_specs=[
            pl.BlockSpec((1, ABLK, ABLK),
                         lambda h, t, rbs, cbs:
                         ((rbs[t] == cbs[t]).astype(jnp.int32), 0, 0)),
            pl.BlockSpec((ABLK, 2 * HD), lambda h, t, rbs, cbs: (rbs[t], h)),
            pl.BlockSpec((ABLK, 2 * HD), lambda h, t, rbs, cbs: (cbs[t], h)),
            pl.BlockSpec((ABLK, 4 * HD), lambda h, t, rbs, cbs: (cbs[t], h)),
        ],
        out_specs=pl.BlockSpec((ABLK, 2 * HD),
                               lambda h, t, rbs, cbs: (rbs[t], h)),
        scratch_shapes=[
            pltpu.VMEM((ABLK, 4 * HD), jnp.float32),
        ],
    )
    return pl.pallas_call(
        _attn_body,
        grid_spec=grid_spec,
        out_shape=jax.ShapeDtypeStruct((L, HID), jnp.float32),
    )(rbs, cbs, bias, q, k, v)



def _post_body(x_ref, a_ref, ow_ref, ln2_ref, gw_ref, gb_ref,
               s1_ref, s2_ref, s3_ref, base_ref, hn_ref, probs_ref):
    h = x_ref[...] + jnp.dot(a_ref[...], ow_ref[...],
                             preferred_element_type=jnp.float32)
    hn = _rms(h, ln2_ref[...])
    logits = jnp.dot(hn, gw_ref[...], preferred_element_type=jnp.float32)
    logits = logits + gb_ref[...]
    m = jnp.max(logits, axis=-1, keepdims=True)
    e = jnp.exp(logits - m)
    probs_ref[...] = e / jnp.sum(e, axis=-1, keepdims=True)
    hnb = hn.astype(jnp.bfloat16)
    a1 = jnp.dot(hnb, s1_ref[...].astype(jnp.bfloat16),
                 preferred_element_type=jnp.float32)
    a3 = jnp.dot(hnb, s3_ref[...].astype(jnp.bfloat16),
                 preferred_element_type=jnp.float32)
    sh = jnp.dot((_silu(a1) * a3).astype(jnp.bfloat16),
                 s2_ref[...].astype(jnp.bfloat16),
                 preferred_element_type=jnp.float32)
    base_ref[...] = h + sh
    hn_ref[...] = hn


def _post_attention(x, aout, o_w, ln2_w, gate_w, expert_bias,
                    shared_w1, shared_w2, shared_w3):
    return pl.pallas_call(
        _post_body,
        grid=(NLB,),
        in_specs=[
            pl.BlockSpec((LBLK, HID), lambda i: (i, 0)),
            pl.BlockSpec((LBLK, HID), lambda i: (i, 0)),
            pl.BlockSpec((HID, HID), lambda i: (0, 0)),
            pl.BlockSpec((1, HID), lambda i: (0, 0)),
            pl.BlockSpec((HID, NE), lambda i: (0, 0)),
            pl.BlockSpec((1, NE), lambda i: (0, 0)),
            pl.BlockSpec((HID, FF), lambda i: (0, 0)),
            pl.BlockSpec((FF, HID), lambda i: (0, 0)),
            pl.BlockSpec((HID, FF), lambda i: (0, 0)),
        ],
        out_specs=[
            pl.BlockSpec((LBLK, HID), lambda i: (i, 0)),
            pl.BlockSpec((LBLK, HID), lambda i: (i, 0)),
            pl.BlockSpec((LBLK, NE), lambda i: (i, 0)),
        ],
        out_shape=[
            jax.ShapeDtypeStruct((L, HID), jnp.float32),
            jax.ShapeDtypeStruct((L, HID), jnp.float32),
            jax.ShapeDtypeStruct((L, NE), jnp.float32),
        ],
    )(x, aout, o_w, ln2_w.reshape(1, HID), gate_w,
      expert_bias.reshape(1, NE), shared_w1, shared_w2, shared_w3)



def _route_body(pr_ref, w0_ref, w1_ref, p0_ref, p1_ref, be_ref):
    pr = pr_ref[...]
    ie = lax.broadcasted_iota(jnp.int32, (L, NE), 1)
    m1 = jnp.max(pr, axis=1, keepdims=True)
    i1 = jnp.min(jnp.where(pr == m1, ie, NE), axis=1, keepdims=True)
    sel1 = ie == i1
    oh0 = sel1.astype(jnp.float32)
    pr2 = jnp.where(sel1, -1.0, pr)
    m2 = jnp.max(pr2, axis=1, keepdims=True)
    i2 = jnp.min(jnp.where(pr2 == m2, ie, NE), axis=1, keepdims=True)
    oh1 = (ie == i2).astype(jnp.float32)
    den = m1 + m2
    w0_ref[...] = m1 / den
    w1_ref[...] = m2 / den
    tril = (lax.broadcasted_iota(jnp.int32, (LBLK, LBLK), 0) >
            lax.broadcasted_iota(jnp.int32, (LBLK, LBLK), 1)).astype(jnp.float32)
    carry = jnp.zeros((1, NE), jnp.float32)
    ranks = []
    for oh in (oh0, oh1):
        for ci in range(NLB):
            blk = oh[ci * LBLK:(ci + 1) * LBLK]
            r = jnp.dot(tril, blk, preferred_element_type=jnp.float32) + carry
            ranks.append(jnp.sum(r * blk, axis=1, keepdims=True))
            carry = carry + jnp.sum(blk, axis=0, keepdims=True)
    counts = carry
    nb = jnp.floor((counts + (BLK - 1)) / BLK)
    triu = (lax.broadcasted_iota(jnp.int32, (NE, NE), 0) <
            lax.broadcasted_iota(jnp.int32, (NE, NE), 1)).astype(jnp.float32)
    blkoff = jnp.dot(nb, triu, preferred_element_type=jnp.float32)
    po = blkoff * BLK
    rank0 = jnp.concatenate(ranks[:NLB], axis=0)
    rank1 = jnp.concatenate(ranks[NLB:], axis=0)
    po0 = jnp.sum(oh0 * po, axis=1, keepdims=True)
    po1 = jnp.sum(oh1 * po, axis=1, keepdims=True)
    p0_ref[...] = (po0 + rank0).astype(jnp.int32)
    p1_ref[...] = (po1 + rank1).astype(jnp.int32)
    si = lax.broadcasted_iota(jnp.int32, (LBLK, NE), 0).astype(jnp.float32)
    cnt = jnp.sum((blkoff <= si).astype(jnp.float32), axis=1, keepdims=True)
    be_ref[...] = jnp.minimum(cnt - 1.0, float(NE - 1)).astype(jnp.int32)


def _routing(probs):
    return pl.pallas_call(
        _route_body,
        out_shape=[
            jax.ShapeDtypeStruct((L, 1), jnp.float32),
            jax.ShapeDtypeStruct((L, 1), jnp.float32),
            jax.ShapeDtypeStruct((L, 1), jnp.int32),
            jax.ShapeDtypeStruct((L, 1), jnp.int32),
            jax.ShapeDtypeStruct((LBLK, 1), jnp.int32),
        ],
    )(probs)



_CHUNK = 64


@functools.lru_cache(maxsize=1)
def _sc_kernels():
    mesh = plsc.VectorSubcoreMesh(core_axis_name="c", subcore_axis_name="s")
    scratch = [
        pltpu.VMEM((_CHUNK,), jnp.int32),
        pltpu.VMEM((_CHUNK, HID), jnp.float32),
        pltpu.SemaphoreType.DMA,
    ]

    @functools.partial(
        pl.kernel, mesh=mesh,
        out_type=jax.ShapeDtypeStruct((PADROWS, HID), jnp.float32),
        scratch_types=scratch,
    )
    def sc_dispatch(hn_hbm, pidx_hbm, xs_hbm, idx_v, rows_v, sem):
        wid = lax.axis_index("s") * 2 + lax.axis_index("c")
        for kk in range(2):
            c = wid * 2 + kk
            pltpu.sync_copy(pidx_hbm.at[c], idx_v)
            t0 = lax.rem(c, 32) * _CHUNK
            pltpu.sync_copy(hn_hbm.at[pl.ds(t0, _CHUNK)], rows_v)
            pltpu.async_copy(rows_v, xs_hbm.at[idx_v], sem).wait()

    @functools.partial(
        pl.kernel, mesh=mesh,
        out_type=jax.ShapeDtypeStruct((2 * L, HID), jnp.float32),
        scratch_types=scratch,
    )
    def sc_combine(ys_hbm, pidx_hbm, g_hbm, idx_v, rows_v, sem):
        wid = lax.axis_index("s") * 2 + lax.axis_index("c")
        for kk in range(2):
            c = wid * 2 + kk
            pltpu.sync_copy(pidx_hbm.at[c], idx_v)
            pltpu.async_copy(ys_hbm.at[idx_v], rows_v, sem).wait()
            pltpu.sync_copy(rows_v, g_hbm.at[pl.ds(c * _CHUNK, _CHUNK)])

    return sc_dispatch, sc_combine


def _dispatch(hn, pidx):
    return _sc_kernels()[0](hn, pidx)


def _combine(ys, pidx):
    return _sc_kernels()[1](ys, pidx)



def _ffn_body(be_ref, x_ref, w1_ref, w3_ref, w2_ref, o_ref):
    xb = x_ref[...].astype(jnp.bfloat16)
    w1 = w1_ref[0].astype(jnp.bfloat16)
    w3 = w3_ref[0].astype(jnp.bfloat16)
    a = jnp.dot(xb, w1, preferred_element_type=jnp.float32)
    b = jnp.dot(xb, w3, preferred_element_type=jnp.float32)
    hb = (_silu(a) * b).astype(jnp.bfloat16)
    o_ref[...] = jnp.dot(hb, w2_ref[0].astype(jnp.bfloat16),
                         preferred_element_type=jnp.float32)


def _grouped_ffn(be, xs, w1, w3, w2):
    grid_spec = pltpu.PrefetchScalarGridSpec(
        num_scalar_prefetch=1,
        grid=(NBLK,),
        in_specs=[
            pl.BlockSpec((BLK, HID), lambda s, be: (s, 0)),
            pl.BlockSpec((1, HID, FF), lambda s, be: (be[s], 0, 0)),
            pl.BlockSpec((1, HID, FF), lambda s, be: (be[s], 0, 0)),
            pl.BlockSpec((1, FF, HID), lambda s, be: (be[s], 0, 0)),
        ],
        out_specs=pl.BlockSpec((BLK, HID), lambda s, be: (s, 0)),
    )
    return pl.pallas_call(
        _ffn_body,
        grid_spec=grid_spec,
        out_shape=jax.ShapeDtypeStruct((PADROWS, HID), jnp.float32),
    )(be, xs, w1, w3, w2)



def _final_body(base_ref, g0_ref, g1_ref, w0_ref, w1_ref, o_ref):
    o_ref[...] = (base_ref[...] + w0_ref[...] * g0_ref[...] +
                  w1_ref[...] * g1_ref[...])


def _final(base, g, w0, w1):
    return pl.pallas_call(
        _final_body,
        grid=(NLB,),
        in_specs=[
            pl.BlockSpec((LBLK, HID), lambda i: (i, 0)),
            pl.BlockSpec((LBLK, HID), lambda i: (i, 0)),
            pl.BlockSpec((LBLK, HID), lambda i: (i + NLB, 0)),
            pl.BlockSpec((LBLK, 1), lambda i: (i, 0)),
            pl.BlockSpec((LBLK, 1), lambda i: (i, 0)),
        ],
        out_specs=pl.BlockSpec((LBLK, HID), lambda i: (i, 0)),
        out_shape=jax.ShapeDtypeStruct((L, HID), jnp.float32),
    )(base, g, g, w0, w1)



def kernel(x, ln1_w, q_w, kv_down_w, kv_norm_w, kv_up_w, o_w, ln2_w, gate_w,
           expert_bias, shared_w1, shared_w2, shared_w3,
           routed_w1, routed_w2, routed_w3):
    xf = x.reshape(L, HID)
    q, k, v = _projections(xf, ln1_w, q_w, kv_down_w, kv_norm_w, kv_up_w)
    aout = _attention(q, k, v)
    base, hn, probs = _post_attention(xf, aout, o_w, ln2_w, gate_w,
                                      expert_bias, shared_w1, shared_w2,
                                      shared_w3)
    w0, w1, p0, p1, be_pad = _routing(probs)
    pidx = jnp.concatenate(
        [p0.reshape(32, _CHUNK), p1.reshape(32, _CHUNK)], axis=0)
    be = be_pad.reshape(LBLK)[:NBLK]
    xs = _dispatch(hn, pidx)
    ys = _grouped_ffn(be, xs, routed_w1, routed_w3, routed_w2)
    g = _combine(ys, pidx)
    out = _final(base, g, w0, w1)
    return out.reshape(1, L, HID), probs

# --- scband reference (transcript-rebuilt; emitter-appended) ---
"""Pipeline reference for scband-deep-seek-block-18425409700064 (READ-ONLY COPY).

The authoritative reference and input builder live on the scoring server;
editing this copy changes nothing except your own understanding.
"""

import math
import jax
import jax.numpy as jnp
import numpy as np

B, L, HID, HEADS, KVR, E, TOPK, FF = 1, 2048, 1024, 16, 128, 64, 2, 512


def setup_inputs(seed: int = 0):
    key = jax.random.key(seed)
    ks = jax.random.split(key, 12)
    s = 0.02
    return {
        "x": jax.random.normal(ks[0], (B, L, HID), dtype=jnp.float32),
        "ln1_w": jnp.ones((HID,), jnp.float32),
        "q_w": jax.random.normal(ks[1], (HID, HID), dtype=jnp.float32) * s,
        "kv_down_w": jax.random.normal(ks[2], (HID, KVR), dtype=jnp.float32) * s,
        "kv_norm_w": jnp.ones((KVR,), jnp.float32),
        "kv_up_w": jax.random.normal(ks[3], (KVR, 2 * HID), dtype=jnp.float32) * s,
        "o_w": jax.random.normal(ks[4], (HID, HID), dtype=jnp.float32) * s,
        "ln2_w": jnp.ones((HID,), jnp.float32),
        "gate_w": jax.random.normal(ks[5], (HID, E), dtype=jnp.float32) * s,
        "expert_bias": jnp.zeros((E,), jnp.float32),
        "shared_w1": jax.random.normal(ks[6], (HID, FF), dtype=jnp.float32) * s,
        "shared_w2": jax.random.normal(ks[7], (FF, HID), dtype=jnp.float32) * s,
        "shared_w3": jax.random.normal(ks[8], (HID, FF), dtype=jnp.float32) * s,
        "routed_w1": jax.random.normal(ks[9], (E, HID, FF), dtype=jnp.float32) * s,
        "routed_w2": jax.random.normal(ks[10], (E, FF, HID), dtype=jnp.float32) * s,
        "routed_w3": jax.random.normal(ks[11], (E, HID, FF), dtype=jnp.float32) * s,
    }


def _rms(v, w, eps=1e-6):
    return w * (v * jax.lax.rsqrt(jnp.mean(v * v, axis=-1, keepdims=True) + eps))


def reference(x, ln1_w, q_w, kv_down_w, kv_norm_w, kv_up_w, o_w, ln2_w, gate_w,
              expert_bias, shared_w1, shared_w2, shared_w3,
              routed_w1, routed_w2, routed_w3):
    Bq, Lq, D = x.shape
    hd = D // HEADS
    # attention sub-block (MLHA with low-rank KV)
    hx = _rms(x, ln1_w)
    q = (hx @ q_w).reshape(Bq, Lq, HEADS, hd)
    lkv = _rms(hx @ kv_down_w, kv_norm_w)
    kv = lkv @ kv_up_w
    k, v = jnp.split(kv, 2, axis=-1)
    k = k.reshape(Bq, Lq, HEADS, hd)
    v = v.reshape(Bq, Lq, HEADS, hd)
    scores = jnp.einsum('bxhd,byhd->bhxy', q, k) / math.sqrt(hd)
    mask = jnp.triu(jnp.full((Lq, Lq), -1e30, dtype=jnp.float32), k=1)
    attn = jax.nn.softmax(scores + mask, axis=-1)
    aout = jnp.einsum('bhxy,byhd->bxhd', attn, v).reshape(Bq, Lq, D)
    h = x + aout @ o_w
    # MoE sub-block (inference path: no jitter, no bias update)
    hn = _rms(h, ln2_w)
    shared = (jax.nn.silu(hn @ shared_w1) * (hn @ shared_w3)) @ shared_w2
    flat = hn.reshape(-1, D)
    logits = flat @ gate_w + expert_bias
    probs = jax.nn.softmax(logits, axis=-1)
    topw, topi = jax.lax.top_k(probs, TOPK)
    topw = topw / jnp.sum(topw, axis=-1, keepdims=True)
    flat_out = jnp.zeros_like(flat)
    for kk in range(TOPK):
        for e in range(E):
            w = jnp.where(topi[:, kk] == e, topw[:, kk], jnp.float32(0.0))
            ye = (jax.nn.silu(flat @ routed_w1[e]) * (flat @ routed_w3[e])) @ routed_w2[e]
            flat_out = flat_out + w[:, None] * ye
    return h + shared + flat_out.reshape(Bq, Lq, D), probs

if __name__ == "__main__":
    import jax
    _d = setup_inputs()
    print(jax.jit(kernel)(*tuple(_d.values())))

</pallas_src>

<mosaic_0001>
#map = affine_map<(d0, d1) -> (0, 0)>
module attributes {stable_mosaic.version = 14 : i64} {
  func.func @sc_dispatch(%arg0: i32, %arg1: i32, %arg2: memref<2048x1024xf32, #tpu.memory_space<hbm>>, %arg3: memref<64x64xi32, #tpu.memory_space<hbm>>, %arg4: memref<12288x1024xf32, #tpu.memory_space<hbm>>, %arg5: memref<64xi32, #tpu.memory_space<vmem>>, %arg6: memref<64x1024xf32, #tpu.memory_space<vmem>>, %arg7: memref<!tpu.dma_semaphore, #tpu.memory_space<semaphore_mem>>) attributes {dimension_semantics = [#tpu.dimension_semantics<core_parallel>, #tpu.dimension_semantics<subcore_parallel>], iteration_bounds = array<i64: 2, 16>, scalar_prefetch = 0 : i64, scratch_operands = 3 : i64, tpu.core_type = #tpu.core_type<sc_vector_subcore>, window_params = [{transform_indices = #map}, {transform_indices = #map}, {transform_indices = #map}]} {
    %mul3A = arith.constant 2 : i32
    %mul3A_0 = arith.muli %arg1, %mul3A : i32
    %add3A = arith.addi %mul3A_0, %arg0 : i32
    %mul3A_1 = arith.constant 2 : i32
    %mul3A_2 = arith.muli %add3A, %mul3A_1 : i32
    %add3A_3 = arith.constant 0 : i32
    %add3A_4 = arith.addi %mul3A_2, %add3A_3 : i32
    "tpu.region"() ({
      %run_scoped3A = tpu.sem_alloc : memref<!tpu.dma_semaphore, #tpu.memory_space<semaphore_mem>>
      %dma_start3A_26 = arith.constant 0 : i32
      %dma_start3A_27 = tpu.memref_slice %arg3[%add3A_4, %dma_start3A_26] : memref<64x64xi32, #tpu.memory_space<hbm>> -> memref<1x64xi32, #tpu.memory_space<hbm>>
      %dma_start3A_28 = tpu.memref_squeeze %dma_start3A_27 : memref<1x64xi32, #tpu.memory_space<hbm>> -> memref<64xi32, #tpu.memory_space<hbm>>
      %dma_start3A_29 = arith.constant 0 : i32
      %dma_start3A_30 = tpu.memref_slice %arg3[%add3A_4, %dma_start3A_29] : memref<64x64xi32, #tpu.memory_space<hbm>> -> memref<1x64xi32, #tpu.memory_space<hbm>>
      %dma_start3A_31 = tpu.memref_squeeze %dma_start3A_30 : memref<1x64xi32, #tpu.memory_space<hbm>> -> memref<64xi32, #tpu.memory_space<hbm>>
      tpu.enqueue_dma source(%dma_start3A_31 : memref<64xi32, #tpu.memory_space<hbm>>) target(%arg5 : memref<64xi32, #tpu.memory_space<vmem>>) target_semaphore(%run_scoped3A : memref<!tpu.dma_semaphore, #tpu.memory_space<semaphore_mem>>)
      %dma_wait3A_32 = arith.constant 0 : i32
      %dma_wait3A_33 = tpu.memref_slice %arg3[%add3A_4, %dma_wait3A_32] : memref<64x64xi32, #tpu.memory_space<hbm>> -> memref<1x64xi32, #tpu.memory_space<hbm>>
      %dma_wait3A_34 = tpu.memref_squeeze %dma_wait3A_33 : memref<1x64xi32, #tpu.memory_space<hbm>> -> memref<64xi32, #tpu.memory_space<hbm>>
      %dma_wait3A_35 = arith.constant 0 : i32
      %dma_wait3A_36 = tpu.memref_slice %arg3[%add3A_4, %dma_wait3A_35] : memref<64x64xi32, #tpu.memory_space<hbm>> -> memref<1x64xi32, #tpu.memory_space<hbm>>
      %dma_wait3A_37 = tpu.memref_squeeze %dma_wait3A_36 : memref<1x64xi32, #tpu.memory_space<hbm>> -> memref<64xi32, #tpu.memory_space<hbm>>
      tpu.wait_dma2 semaphore(%run_scoped3A : memref<!tpu.dma_semaphore, #tpu.memory_space<semaphore_mem>>) src(%dma_wait3A_37 : memref<64xi32, #tpu.memory_space<hbm>>) dst(%arg5 : memref<64xi32, #tpu.memory_space<vmem>>)
      tpu.yield
    }) : () -> ()
    %rem3A = arith.constant 32 : i32
    %rem3A_5 = arith.remsi %add3A_4, %rem3A : i32
    %mul3A_6 = arith.constant 64 : i32
    %mul3A_7 = arith.muli %rem3A_5, %mul3A_6 : i32
    "tpu.region"() ({
      %run_scoped3A = tpu.sem_alloc : memref<!tpu.dma_semaphore, #tpu.memory_space<semaphore_mem>>
      %dma_start3A_26 = arith.constant 0 : i32
      %dma_start3A_27 = tpu.memref_slice %arg2[%mul3A_7, %dma_start3A_26] : memref<2048x1024xf32, #tpu.memory_space<hbm>> -> memref<64x1024xf32, #tpu.memory_space<hbm>>
      %dma_start3A_28 = arith.constant 0 : i32
      %dma_start3A_29 = tpu.memref_slice %arg2[%mul3A_7, %dma_start3A_28] : memref<2048x1024xf32, #tpu.memory_space<hbm>> -> memref<64x1024xf32, #tpu.memory_space<hbm>>
      tpu.enqueue_dma source(%dma_start3A_29 : memref<64x1024xf32, #tpu.memory_space<hbm>>) target(%arg6 : memref<64x1024xf32, #tpu.memory_space<vmem>>) target_semaphore(%run_scoped3A : memref<!tpu.dma_semaphore, #tpu.memory_space<semaphore_mem>>)
      %dma_wait3A_30 = arith.constant 0 : i32
      %dma_wait3A_31 = tpu.memref_slice %arg2[%mul3A_7, %dma_wait3A_30] : memref<2048x1024xf32, #tpu.memory_space<hbm>> -> memref<64x1024xf32, #tpu.memory_space<hbm>>
      %dma_wait3A_32 = arith.constant 0 : i32
      %dma_wait3A_33 = tpu.memref_slice %arg2[%mul3A_7, %dma_wait3A_32] : memref<2048x1024xf32, #tpu.memory_space<hbm>> -> memref<64x1024xf32, #tpu.memory_space<hbm>>
      tpu.wait_dma2 semaphore(%run_scoped3A : memref<!tpu.dma_semaphore, #tpu.memory_space<semaphore_mem>>) src(%dma_wait3A_33 : memref<64x1024xf32, #tpu.memory_space<hbm>>) dst(%arg6 : memref<64x1024xf32, #tpu.memory_space<vmem>>)
      tpu.yield
    }) : () -> ()
    %dma_start3A = arith.constant 0 : i32
    %dma_start3A_8 = arith.constant 0 : i32
    %dma_start3A_9 = tpu.memref_slice %arg4[%dma_start3A, %dma_start3A_8] : memref<12288x1024xf32, #tpu.memory_space<hbm>> -> memref<12288x1024xf32, #tpu.memory_space<hbm>>
    tpu.enqueue_indirect_dma source(%arg6 : memref<64x1024xf32, #tpu.memory_space<vmem>>) target(%dma_start3A_9 : memref<12288x1024xf32, #tpu.memory_space<hbm>>) offsets(%arg5 : memref<64xi32, #tpu.memory_space<vmem>>) semaphore(%arg7 : memref<!tpu.dma_semaphore, #tpu.memory_space<semaphore_mem>>)
    %dma_wait3A = arith.constant 0 : i32
    %dma_wait3A_10 = arith.constant 0 : i32
    %dma_wait3A_11 = tpu.memref_slice %arg4[%dma_wait3A, %dma_wait3A_10] : memref<12288x1024xf32, #tpu.memory_space<hbm>> -> memref<12288x1024xf32, #tpu.memory_space<hbm>>
    tpu.wait_indirect_dma semaphore(%arg7 : memref<!tpu.dma_semaphore, #tpu.memory_space<semaphore_mem>>) src(%arg6 : memref<64x1024xf32, #tpu.memory_space<vmem>>) dst(%dma_wait3A_11 : memref<12288x1024xf32, #tpu.memory_space<hbm>>)
    %mul3A_12 = arith.constant 2 : i32
    %mul3A_13 = arith.muli %add3A, %mul3A_12 : i32
    %add3A_14 = arith.constant 1 : i32
    %add3A_15 = arith.addi %mul3A_13, %add3A_14 : i32
    "tpu.region"() ({
      %run_scoped3A = tpu.sem_alloc : memref<!tpu.dma_semaphore, #tpu.memory_space<semaphore_mem>>
      %dma_start3A_26 = arith.constant 0 : i32
      %dma_start3A_27 = tpu.memref_slice %arg3[%add3A_15, %dma_start3A_26] : memref<64x64xi32, #tpu.memory_space<hbm>> -> memref<1x64xi32, #tpu.memory_space<hbm>>
      %dma_start3A_28 = tpu.memref_squeeze %dma_start3A_27 : memref<1x64xi32, #tpu.memory_space<hbm>> -> memref<64xi32, #tpu.memory_space<hbm>>
      %dma_start3A_29 = arith.constant 0 : i32
      %dma_start3A_30 = tpu.memref_slice %arg3[%add3A_15, %dma_start3A_29] : memref<64x64xi32, #tpu.memory_space<hbm>> -> memref<1x64xi32, #tpu.memory_space<hbm>>
      %dma_start3A_31 = tpu.memref_squeeze %dma_start3A_30 : memref<1x64xi32, #tpu.memory_space<hbm>> -> memref<64xi32, #tpu.memory_space<hbm>>
      tpu.enqueue_dma source(%dma_start3A_31 : memref<64xi32, #tpu.memory_space<hbm>>) target(%arg5 : memref<64xi32, #tpu.memory_space<vmem>>) target_semaphore(%run_scoped3A : memref<!tpu.dma_semaphore, #tpu.memory_space<semaphore_mem>>)
      %dma_wait3A_32 = arith.constant 0 : i32
      %dma_wait3A_33 = tpu.memref_slice %arg3[%add3A_15, %dma_wait3A_32] : memref<64x64xi32, #tpu.memory_space<hbm>> -> memref<1x64xi32, #tpu.memory_space<hbm>>
      %dma_wait3A_34 = tpu.memref_squeeze %dma_wait3A_33 : memref<1x64xi32, #tpu.memory_space<hbm>> -> memref<64xi32, #tpu.memory_space<hbm>>
      %dma_wait3A_35 = arith.constant 0 : i32
      %dma_wait3A_36 = tpu.memref_slice %arg3[%add3A_15, %dma_wait3A_35] : memref<64x64xi32, #tpu.memory_space<hbm>> -> memref<1x64xi32, #tpu.memory_space<hbm>>
      %dma_wait3A_37 = tpu.memref_squeeze %dma_wait3A_36 : memref<1x64xi32, #tpu.memory_space<hbm>> -> memref<64xi32, #tpu.memory_space<hbm>>
      tpu.wait_dma2 semaphore(%run_scoped3A : memref<!tpu.dma_semaphore, #tpu.memory_space<semaphore_mem>>) src(%dma_wait3A_37 : memref<64xi32, #tpu.memory_space<hbm>>) dst(%arg5 : memref<64xi32, #tpu.memory_space<vmem>>)
      tpu.yield
    }) : () -> ()
    %rem3A_16 = arith.constant 32 : i32
    %rem3A_17 = arith.remsi %add3A_15, %rem3A_16 : i32
    %mul3A_18 = arith.constant 64 : i32
    %mul3A_19 = arith.muli %rem3A_17, %mul3A_18 : i32
    "tpu.region"() ({
      %run_scoped3A = tpu.sem_alloc : memref<!tpu.dma_semaphore, #tpu.memory_space<semaphore_mem>>
      %dma_start3A_26 = arith.constant 0 : i32
      %dma_start3A_27 = tpu.memref_slice %arg2[%mul3A_19, %dma_start3A_26] : memref<2048x1024xf32, #tpu.memory_space<hbm>> -> memref<64x1024xf32, #tpu.memory_space<hbm>>
      %dma_start3A_28 = arith.constant 0 : i32
      %dma_start3A_29 = tpu.memref_slice %arg2[%mul3A_19, %dma_start3A_28] : memref<2048x1024xf32, #tpu.memory_space<hbm>> -> memref<64x1024xf32, #tpu.memory_space<hbm>>
      tpu.enqueue_dma source(%dma_start3A_29 : memref<64x1024xf32, #tpu.memory_space<hbm>>) target(%arg6 : memref<64x1024xf32, #tpu.memory_space<vmem>>) target_semaphore(%run_scoped3A : memref<!tpu.dma_semaphore, #tpu.memory_space<semaphore_mem>>)
      %dma_wait3A_30 = arith.constant 0 : i32
      %dma_wait3A_31 = tpu.memref_slice %arg2[%mul3A_19, %dma_wait3A_30] : memref<2048x1024xf32, #tpu.memory_space<hbm>> -> memref<64x1024xf32, #tpu.memory_space<hbm>>
      %dma_wait3A_32 = arith.constant 0 : i32
      %dma_wait3A_33 = tpu.memref_slice %arg2[%mul3A_19, %dma_wait3A_32] : memref<2048x1024xf32, #tpu.memory_space<hbm>> -> memref<64x1024xf32, #tpu.memory_space<hbm>>
      tpu.wait_dma2 semaphore(%run_scoped3A : memref<!tpu.dma_semaphore, #tpu.memory_space<semaphore_mem>>) src(%dma_wait3A_33 : memref<64x1024xf32, #tpu.memory_space<hbm>>) dst(%arg6 : memref<64x1024xf32, #tpu.memory_space<vmem>>)
      tpu.yield
    }) : () -> ()
    %dma_start3A_20 = arith.constant 0 : i32
    %dma_start3A_21 = arith.constant 0 : i32
    %dma_start3A_22 = tpu.memref_slice %arg4[%dma_start3A_20, %dma_start3A_21] : memref<12288x1024xf32, #tpu.memory_space<hbm>> -> memref<12288x1024xf32, #tpu.memory_space<hbm>>
    tpu.enqueue_indirect_dma source(%arg6 : memref<64x1024xf32, #tpu.memory_space<vmem>>) target(%dma_start3A_22 : memref<12288x1024xf32, #tpu.memory_space<hbm>>) offsets(%arg5 : memref<64xi32, #tpu.memory_space<vmem>>) semaphore(%arg7 : memref<!tpu.dma_semaphore, #tpu.memory_space<semaphore_mem>>)
    %dma_wait3A_23 = arith.constant 0 : i32
    %dma_wait3A_24 = arith.constant 0 : i32
    %dma_wait3A_25 = tpu.memref_slice %arg4[%dma_wait3A_23, %dma_wait3A_24] : memref<12288x1024xf32, #tpu.memory_space<hbm>> -> memref<12288x1024xf32, #tpu.memory_space<hbm>>
    tpu.wait_indirect_dma semaphore(%arg7 : memref<!tpu.dma_semaphore, #tpu.memory_space<semaphore_mem>>) src(%arg6 : memref<64x1024xf32, #tpu.memory_space<vmem>>) dst(%dma_wait3A_25 : memref<12288x1024xf32, #tpu.memory_space<hbm>>)
    return
  }
}

#map = affine_map<(d0, d1) -> (0, 0)>
module attributes {stable_mosaic.version = 14 : i64} {
  func.func @sc_combine(%arg0: i32, %arg1: i32, %arg2: memref<12288x1024xf32, #tpu.memory_space<hbm>>, %arg3: memref<64x64xi32, #tpu.memory_space<hbm>>, %arg4: memref<4096x1024xf32, #tpu.memory_space<hbm>>, %arg5: memref<64xi32, #tpu.memory_space<vmem>>, %arg6: memref<64x1024xf32, #tpu.memory_space<vmem>>, %arg7: memref<!tpu.dma_semaphore, #tpu.memory_space<semaphore_mem>>) attributes {dimension_semantics = [#tpu.dimension_semantics<core_parallel>, #tpu.dimension_semantics<subcore_parallel>], iteration_bounds = array<i64: 2, 16>, scalar_prefetch = 0 : i64, scratch_operands = 3 : i64, tpu.core_type = #tpu.core_type<sc_vector_subcore>, window_params = [{transform_indices = #map}, {transform_indices = #map}, {transform_indices = #map}]} {
    %mul3A = arith.constant 2 : i32
    %mul3A_0 = arith.muli %arg1, %mul3A : i32
    %add3A = arith.addi %mul3A_0, %arg0 : i32
    %mul3A_1 = arith.constant 2 : i32
    %mul3A_2 = arith.muli %add3A, %mul3A_1 : i32
    %add3A_3 = arith.constant 0 : i32
    %add3A_4 = arith.addi %mul3A_2, %add3A_3 : i32
    "tpu.region"() ({
      %run_scoped3A = tpu.sem_alloc : memref<!tpu.dma_semaphore, #tpu.memory_space<semaphore_mem>>
      %dma_start3A_23 = arith.constant 0 : i32
      %dma_start3A_24 = tpu.memref_slice %arg3[%add3A_4, %dma_start3A_23] : memref<64x64xi32, #tpu.memory_space<hbm>> -> memref<1x64xi32, #tpu.memory_space<hbm>>
      %dma_start3A_25 = tpu.memref_squeeze %dma_start3A_24 : memref<1x64xi32, #tpu.memory_space<hbm>> -> memref<64xi32, #tpu.memory_space<hbm>>
      %dma_start3A_26 = arith.constant 0 : i32
      %dma_start3A_27 = tpu.memref_slice %arg3[%add3A_4, %dma_start3A_26] : memref<64x64xi32, #tpu.memory_space<hbm>> -> memref<1x64xi32, #tpu.memory_space<hbm>>
      %dma_start3A_28 = tpu.memref_squeeze %dma_start3A_27 : memref<1x64xi32, #tpu.memory_space<hbm>> -> memref<64xi32, #tpu.memory_space<hbm>>
      tpu.enqueue_dma source(%dma_start3A_28 : memref<64xi32, #tpu.memory_space<hbm>>) target(%arg5 : memref<64xi32, #tpu.memory_space<vmem>>) target_semaphore(%run_scoped3A : memref<!tpu.dma_semaphore, #tpu.memory_space<semaphore_mem>>)
      %dma_wait3A_29 = arith.constant 0 : i32
      %dma_wait3A_30 = tpu.memref_slice %arg3[%add3A_4, %dma_wait3A_29] : memref<64x64xi32, #tpu.memory_space<hbm>> -> memref<1x64xi32, #tpu.memory_space<hbm>>
      %dma_wait3A_31 = tpu.memref_squeeze %dma_wait3A_30 : memref<1x64xi32, #tpu.memory_space<hbm>> -> memref<64xi32, #tpu.memory_space<hbm>>
      %dma_wait3A_32 = arith.constant 0 : i32
      %dma_wait3A_33 = tpu.memref_slice %arg3[%add3A_4, %dma_wait3A_32] : memref<64x64xi32, #tpu.memory_space<hbm>> -> memref<1x64xi32, #tpu.memory_space<hbm>>
      %dma_wait3A_34 = tpu.memref_squeeze %dma_wait3A_33 : memref<1x64xi32, #tpu.memory_space<hbm>> -> memref<64xi32, #tpu.memory_space<hbm>>
      tpu.wait_dma2 semaphore(%run_scoped3A : memref<!tpu.dma_semaphore, #tpu.memory_space<semaphore_mem>>) src(%dma_wait3A_34 : memref<64xi32, #tpu.memory_space<hbm>>) dst(%arg5 : memref<64xi32, #tpu.memory_space<vmem>>)
      tpu.yield
    }) : () -> ()
    %dma_start3A = arith.constant 0 : i32
    %dma_start3A_5 = arith.constant 0 : i32
    %dma_start3A_6 = tpu.memref_slice %arg2[%dma_start3A, %dma_start3A_5] : memref<12288x1024xf32, #tpu.memory_space<hbm>> -> memref<12288x1024xf32, #tpu.memory_space<hbm>>
    tpu.enqueue_indirect_dma source(%dma_start3A_6 : memref<12288x1024xf32, #tpu.memory_space<hbm>>) target(%arg6 : memref<64x1024xf32, #tpu.memory_space<vmem>>) offsets(%arg5 : memref<64xi32, #tpu.memory_space<vmem>>) semaphore(%arg7 : memref<!tpu.dma_semaphore, #tpu.memory_space<semaphore_mem>>)
    %dma_wait3A = arith.constant 0 : i32
    %dma_wait3A_7 = arith.constant 0 : i32
    %dma_wait3A_8 = tpu.memref_slice %arg2[%dma_wait3A, %dma_wait3A_7] : memref<12288x1024xf32, #tpu.memory_space<hbm>> -> memref<12288x1024xf32, #tpu.memory_space<hbm>>
    tpu.wait_indirect_dma semaphore(%arg7 : memref<!tpu.dma_semaphore, #tpu.memory_space<semaphore_mem>>) src(%dma_wait3A_8 : memref<12288x1024xf32, #tpu.memory_space<hbm>>) dst(%arg6 : memref<64x1024xf32, #tpu.memory_space<vmem>>)
    %mul3A_9 = arith.constant 64 : i32
    %mul3A_10 = arith.muli %add3A_4, %mul3A_9 : i32
    "tpu.region"() ({
      %run_scoped3A = tpu.sem_alloc : memref<!tpu.dma_semaphore, #tpu.memory_space<semaphore_mem>>
      %dma_start3A_23 = arith.constant 0 : i32
      %dma_start3A_24 = tpu.memref_slice %arg4[%mul3A_10, %dma_start3A_23] : memref<4096x1024xf32, #tpu.memory_space<hbm>> -> memref<64x1024xf32, #tpu.memory_space<hbm>>
      %dma_start3A_25 = arith.constant 0 : i32
      %dma_start3A_26 = tpu.memref_slice %arg4[%mul3A_10, %dma_start3A_25] : memref<4096x1024xf32, #tpu.memory_space<hbm>> -> memref<64x1024xf32, #tpu.memory_space<hbm>>
      tpu.enqueue_dma source(%arg6 : memref<64x1024xf32, #tpu.memory_space<vmem>>) target(%dma_start3A_26 : memref<64x1024xf32, #tpu.memory_space<hbm>>) target_semaphore(%run_scoped3A : memref<!tpu.dma_semaphore, #tpu.memory_space<semaphore_mem>>)
      %dma_wait3A_27 = arith.constant 0 : i32
      %dma_wait3A_28 = tpu.memref_slice %arg4[%mul3A_10, %dma_wait3A_27] : memref<4096x1024xf32, #tpu.memory_space<hbm>> -> memref<64x1024xf32, #tpu.memory_space<hbm>>
      %dma_wait3A_29 = arith.constant 0 : i32
      %dma_wait3A_30 = tpu.memref_slice %arg4[%mul3A_10, %dma_wait3A_29] : memref<4096x1024xf32, #tpu.memory_space<hbm>> -> memref<64x1024xf32, #tpu.memory_space<hbm>>
      tpu.wait_dma2 semaphore(%run_scoped3A : memref<!tpu.dma_semaphore, #tpu.memory_space<semaphore_mem>>) src(%arg6 : memref<64x1024xf32, #tpu.memory_space<vmem>>) dst(%dma_wait3A_30 : memref<64x1024xf32, #tpu.memory_space<hbm>>)
      tpu.yield
    }) : () -> ()
    %mul3A_11 = arith.constant 2 : i32
    %mul3A_12 = arith.muli %add3A, %mul3A_11 : i32
    %add3A_13 = arith.constant 1 : i32
    %add3A_14 = arith.addi %mul3A_12, %add3A_13 : i32
    "tpu.region"() ({
      %run_scoped3A = tpu.sem_alloc : memref<!tpu.dma_semaphore, #tpu.memory_space<semaphore_mem>>
      %dma_start3A_23 = arith.constant 0 : i32
      %dma_start3A_24 = tpu.memref_slice %arg3[%add3A_14, %dma_start3A_23] : memref<64x64xi32, #tpu.memory_space<hbm>> -> memref<1x64xi32, #tpu.memory_space<hbm>>
      %dma_start3A_25 = tpu.memref_squeeze %dma_start3A_24 : memref<1x64xi32, #tpu.memory_space<hbm>> -> memref<64xi32, #tpu.memory_space<hbm>>
      %dma_start3A_26 = arith.constant 0 : i32
      %dma_start3A_27 = tpu.memref_slice %arg3[%add3A_14, %dma_start3A_26] : memref<64x64xi32, #tpu.memory_space<hbm>> -> memref<1x64xi32, #tpu.memory_space<hbm>>
      %dma_start3A_28 = tpu.memref_squeeze %dma_start3A_27 : memref<1x64xi32, #tpu.memory_space<hbm>> -> memref<64xi32, #tpu.memory_space<hbm>>
      tpu.enqueue_dma source(%dma_start3A_28 : memref<64xi32, #tpu.memory_space<hbm>>) target(%arg5 : memref<64xi32, #tpu.memory_space<vmem>>) target_semaphore(%run_scoped3A : memref<!tpu.dma_semaphore, #tpu.memory_space<semaphore_mem>>)
      %dma_wait3A_29 = arith.constant 0 : i32
      %dma_wait3A_30 = tpu.memref_slice %arg3[%add3A_14, %dma_wait3A_29] : memref<64x64xi32, #tpu.memory_space<hbm>> -> memref<1x64xi32, #tpu.memory_space<hbm>>
      %dma_wait3A_31 = tpu.memref_squeeze %dma_wait3A_30 : memref<1x64xi32, #tpu.memory_space<hbm>> -> memref<64xi32, #tpu.memory_space<hbm>>
      %dma_wait3A_32 = arith.constant 0 : i32
      %dma_wait3A_33 = tpu.memref_slice %arg3[%add3A_14, %dma_wait3A_32] : memref<64x64xi32, #tpu.memory_space<hbm>> -> memref<1x64xi32, #tpu.memory_space<hbm>>
      %dma_wait3A_34 = tpu.memref_squeeze %dma_wait3A_33 : memref<1x64xi32, #tpu.memory_space<hbm>> -> memref<64xi32, #tpu.memory_space<hbm>>
      tpu.wait_dma2 semaphore(%run_scoped3A : memref<!tpu.dma_semaphore, #tpu.memory_space<semaphore_mem>>) src(%dma_wait3A_34 : memref<64xi32, #tpu.memory_space<hbm>>) dst(%arg5 : memref<64xi32, #tpu.memory_space<vmem>>)
      tpu.yield
    }) : () -> ()
    %dma_start3A_15 = arith.constant 0 : i32
    %dma_start3A_16 = arith.constant 0 : i32
    %dma_start3A_17 = tpu.memref_slice %arg2[%dma_start3A_15, %dma_start3A_16] : memref<12288x1024xf32, #tpu.memory_space<hbm>> -> memref<12288x1024xf32, #tpu.memory_space<hbm>>
    tpu.enqueue_indirect_dma source(%dma_start3A_17 : memref<12288x1024xf32, #tpu.memory_space<hbm>>) target(%arg6 : memref<64x1024xf32, #tpu.memory_space<vmem>>) offsets(%arg5 : memref<64xi32, #tpu.memory_space<vmem>>) semaphore(%arg7 : memref<!tpu.dma_semaphore, #tpu.memory_space<semaphore_mem>>)
    %dma_wait3A_18 = arith.constant 0 : i32
    %dma_wait3A_19 = arith.constant 0 : i32
    %dma_wait3A_20 = tpu.memref_slice %arg2[%dma_wait3A_18, %dma_wait3A_19] : memref<12288x1024xf32, #tpu.memory_space<hbm>> -> memref<12288x1024xf32, #tpu.memory_space<hbm>>
    tpu.wait_indirect_dma semaphore(%arg7 : memref<!tpu.dma_semaphore, #tpu.memory_space<semaphore_mem>>) src(%dma_wait3A_20 : memref<12288x1024xf32, #tpu.memory_space<hbm>>) dst(%arg6 : memref<64x1024xf32, #tpu.memory_space<vmem>>)
    %mul3A_21 = arith.constant 64 : i32
    %mul3A_22 = arith.muli %add3A_14, %mul3A_21 : i32
    "tpu.region"() ({
      %run_scoped3A = tpu.sem_alloc : memref<!tpu.dma_semaphore, #tpu.memory_space<semaphore_mem>>
      %dma_start3A_23 = arith.constant 0 : i32
      %dma_start3A_24 = tpu.memref_slice %arg4[%mul3A_22, %dma_start3A_23] : memref<4096x1024xf32, #tpu.memory_space<hbm>> -> memref<64x1024xf32, #tpu.memory_space<hbm>>
      %dma_start3A_25 = arith.constant 0 : i32
      %dma_start3A_26 = tpu.memref_slice %arg4[%mul3A_22, %dma_start3A_25] : memref<4096x1024xf32, #tpu.memory_space<hbm>> -> memref<64x1024xf32, #tpu.memory_space<hbm>>
      tpu.enqueue_dma source(%arg6 : memref<64x1024xf32, #tpu.memory_space<vmem>>) target(%dma_start3A_26 : memref<64x1024xf32, #tpu.memory_space<hbm>>) target_semaphore(%run_scoped3A : memref<!tpu.dma_semaphore, #tpu.memory_space<semaphore_mem>>)
      %dma_wait3A_27 = arith.constant 0 : i32
      %dma_wait3A_28 = tpu.memref_slice %arg4[%mul3A_22, %dma_wait3A_27] : memref<4096x1024xf32, #tpu.memory_space<hbm>> -> memref<64x1024xf32, #tpu.memory_space<hbm>>
      %dma_wait3A_29 = arith.constant 0 : i32
      %dma_wait3A_30 = tpu.memref_slice %arg4[%mul3A_22, %dma_wait3A_29] : memref<4096x1024xf32, #tpu.memory_space<hbm>> -> memref<64x1024xf32, #tpu.memory_space<hbm>>
      tpu.wait_dma2 semaphore(%run_scoped3A : memref<!tpu.dma_semaphore, #tpu.memory_space<semaphore_mem>>) src(%arg6 : memref<64x1024xf32, #tpu.memory_space<vmem>>) dst(%dma_wait3A_30 : memref<64x1024xf32, #tpu.memory_space<hbm>>)
      tpu.yield
    }) : () -> ()
    return
  }
}

module attributes {stable_mosaic.version = 14 : i64} {
  func.func @_proj_body(%arg0: i32, %arg1: memref<128x1024xf32, #tpu.memory_space<vmem>>, %arg2: memref<1x1024xf32, #tpu.memory_space<vmem>>, %arg3: memref<1024x1024xf32, #tpu.memory_space<vmem>>, %arg4: memref<1024x128xf32, #tpu.memory_space<vmem>>, %arg5: memref<1x128xf32, #tpu.memory_space<vmem>>, %arg6: memref<128x2048xf32, #tpu.memory_space<vmem>>, %arg7: memref<128x1024xf32, #tpu.memory_space<vmem>>, %arg8: memref<128x1024xf32, #tpu.memory_space<vmem>>, %arg9: memref<128x2048xf32, #tpu.memory_space<vmem>>) attributes {dimension_semantics = [#tpu.dimension_semantics<arbitrary>], iteration_bounds = array<i64: 16>, scalar_prefetch = 0 : i64, scratch_operands = 0 : i64, tpu.core_type = #tpu.core_type<tc>, window_params = [{transform_indices = @transform_0, window_bounds = array<i64: 128, 1024>}, {pipeline_mode = #tpu.pipeline_mode<synchronous>, transform_indices = @transform_1, window_bounds = array<i64: 1, 1024>}, {pipeline_mode = #tpu.pipeline_mode<synchronous>, transform_indices = @transform_2, window_bounds = array<i64: 1024, 1024>}, {pipeline_mode = #tpu.pipeline_mode<synchronous>, transform_indices = @transform_3, window_bounds = array<i64: 1024, 128>}, {pipeline_mode = #tpu.pipeline_mode<synchronous>, transform_indices = @transform_4, window_bounds = array<i64: 1, 128>}, {pipeline_mode = #tpu.pipeline_mode<synchronous>, transform_indices = @transform_5, window_bounds = array<i64: 128, 2048>}, {transform_indices = @transform_6, window_bounds = array<i64: 128, 1024>}, {transform_indices = @transform_7, window_bounds = array<i64: 128, 1024>}, {transform_indices = @transform_8, window_bounds = array<i64: 128, 2048>}]} {
    %get3A = arith.constant 0 : index
    %get3A_0 = arith.constant 0 : index
    %get3A_1 = vector.load %arg1[%get3A, %get3A_0] : memref<128x1024xf32, #tpu.memory_space<vmem>>, vector<128x1024xf32>
    %get3A_2 = arith.constant 0 : index
    %get3A_3 = arith.constant 0 : index
    %get3A_4 = vector.load %arg2[%get3A_2, %get3A_3] : memref<1x1024xf32, #tpu.memory_space<vmem>>, vector<1x1024xf32>
    %mul3A = arith.mulf %get3A_1, %get3A_1 : vector<128x1024xf32>
    %reduce_sum3A = arith.constant dense<0.000000e+00> : vector<128xf32>
    %reduce_sum3A_5 = vector.multi_reduction <add>, %mul3A, %reduce_sum3A [1] : vector<128x1024xf32> to vector<128xf32>
    %broadcast_in_dim3A = vector.shape_cast %reduce_sum3A_5 : vector<128xf32> to vector<128x1xf32>
    %div3A = arith.constant 1.024000e+03 : f32
    %div3A_6 = vector.broadcast %div3A : f32 to vector<128x1xf32>
    %div3A_7 = arith.divf %broadcast_in_dim3A, %div3A_6 : vector<128x1xf32>
    %add3A = arith.constant 9.99999997E-7 : f32
    %add3A_8 = vector.broadcast %add3A : f32 to vector<128x1xf32>
    %add3A_9 = arith.addf %div3A_7, %add3A_8 : vector<128x1xf32>
    %rsqrt3A = math.rsqrt %add3A_9 : vector<128x1xf32>
    %mul3A_10 = vector.broadcast %rsqrt3A : vector<128x1xf32> to vector<128x1024xf32>
    %mul3A_11 = arith.mulf %get3A_1, %mul3A_10 : vector<128x1024xf32>
    %mul3A_12 = vector.broadcast %get3A_4 : vector<1x1024xf32> to vector<128x1024xf32>
    %mul3A_13 = arith.mulf %mul3A_12, %mul3A_11 : vector<128x1024xf32>
    %get3A_14 = arith.constant 0 : index
    %get3A_15 = arith.constant 0 : index
    %get3A_16 = vector.load %arg3[%get3A_14, %get3A_15] : memref<1024x1024xf32, #tpu.memory_space<vmem>>, vector<1024x1024xf32>
    %dot_general3A = arith.constant dense<0.000000e+00> : vector<128x1024xf32>
    %dot_general3A_17 = tpu.matmul %mul3A_13, %get3A_16, %dot_general3A {dimension_numbers = #tpu.dot_dimension_numbers<[1], [0], [0], [1], [0, 0, 1, 1], [], []>, transpose_lhs_hint = false} : vector<128x1024xf32>, vector<1024x1024xf32>, vector<128x1024xf32> -> vector<128x1024xf32>
    %mul3A_18 = arith.constant 1.250000e-01 : f32
    %mul3A_19 = vector.broadcast %mul3A_18 : f32 to vector<128x1024xf32>
    %mul3A_20 = arith.mulf %dot_general3A_17, %mul3A_19 : vector<128x1024xf32>
    %swap3A = arith.constant 0 : index
    %swap3A_21 = arith.constant 0 : index
    %swap3A_22 = vector.load %arg7[%swap3A, %swap3A_21] : memref<128x1024xf32, #tpu.memory_space<vmem>>, vector<128x1024xf32>
    tpu.vector_store %arg7[%swap3A, %swap3A_21], %mul3A_20 {strides = array<i32>} : memref<128x1024xf32, #tpu.memory_space<vmem>>, vector<128x1024xf32>,
    %get3A_23 = arith.constant 0 : index
    %get3A_24 = arith.constant 0 : index
    %get3A_25 = vector.load %arg4[%get3A_23, %get3A_24] : memref<1024x128xf32, #tpu.memory_space<vmem>>, vector<1024x128xf32>
    %dot_general3A_26 = arith.constant dense<0.000000e+00> : vector<128x128xf32>
    %dot_general3A_27 = tpu.matmul %mul3A_13, %get3A_25, %dot_general3A_26 {dimension_numbers = #tpu.dot_dimension_numbers<[1], [0], [0], [1], [0, 0, 1, 1], [], []>, transpose_lhs_hint = false} : vector<128x1024xf32>, vector<1024x128xf32>, vector<128x128xf32> -> vector<128x128xf32>
    %get3A_28 = arith.constant 0 : index
    %get3A_29 = arith.constant 0 : index
    %get3A_30 = vector.load %arg5[%get3A_28, %get3A_29] : memref<1x128xf32, #tpu.memory_space<vmem>>, vector<1x128xf32>
    %mul3A_31 = arith.mulf %dot_general3A_27, %dot_general3A_27 : vector<128x128xf32>
    %reduce_sum3A_32 = arith.constant dense<0.000000e+00> : vector<128xf32>
    %reduce_sum3A_33 = vector.multi_reduction <add>, %mul3A_31, %reduce_sum3A_32 [1] : vector<128x128xf32> to vector<128xf32>
    %broadcast_in_dim3A_34 = vector.shape_cast %reduce_sum3A_33 : vector<128xf32> to vector<128x1xf32>
    %div3A_35 = arith.constant 1.280000e+02 : f32
    %div3A_36 = vector.broadcast %div3A_35 : f32 to vector<128x1xf32>
    %div3A_37 = arith.divf %broadcast_in_dim3A_34, %div3A_36 : vector<128x1xf32>
    %add3A_38 = arith.constant 9.99999997E-7 : f32
    %add3A_39 = vector.broadcast %add3A_38 : f32 to vector<128x1xf32>
    %add3A_40 = arith.addf %div3A_37, %add3A_39 : vector<128x1xf32>
    %rsqrt3A_41 = math.rsqrt %add3A_40 : vector<128x1xf32>
    %mul3A_42 = vector.broadcast %rsqrt3A_41 : vector<128x1xf32> to vector<128x128xf32>
    %mul3A_43 = arith.mulf %dot_general3A_27, %mul3A_42 : vector<128x128xf32>
    %mul3A_44 = vector.broadcast %get3A_30 : vector<1x128xf32> to vector<128x128xf32>
    %mul3A_45 = arith.mulf %mul3A_44, %mul3A_43 : vector<128x128xf32>
    %get3A_46 = arith.constant 0 : index
    %get3A_47 = arith.constant 0 : index
    %get3A_48 = vector.load %arg6[%get3A_46, %get3A_47] : memref<128x2048xf32, #tpu.memory_space<vmem>>, vector<128x2048xf32>
    %dot_general3A_49 = arith.constant dense<0.000000e+00> : vector<128x2048xf32>
    %dot_general3A_50 = tpu.matmul %mul3A_45, %get3A_48, %dot_general3A_49 {dimension_numbers = #tpu.dot_dimension_numbers<[1], [0], [0], [1], [0, 0, 1, 1], [], []>, transpose_lhs_hint = false} : vector<128x128xf32>, vector<128x2048xf32>, vector<128x2048xf32> -> vector<128x2048xf32>
    %slice3A = vector.extract_strided_slice %dot_general3A_50 {offsets = [0, 0], sizes = [128, 1024], strides = [1, 1]} : vector<128x2048xf32> to vector<128x1024xf32>
    %swap3A_51 = arith.constant 0 : index
    %swap3A_52 = arith.constant 0 : index
    %swap3A_53 = vector.load %arg8[%swap3A_51, %swap3A_52] : memref<128x1024xf32, #tpu.memory_space<vmem>>, vector<128x1024xf32>
    tpu.vector_store %arg8[%swap3A_51, %swap3A_52], %slice3A {strides = array<i32>} : memref<128x1024xf32, #tpu.memory_space<vmem>>, vector<128x1024xf32>,
    %broadcast_in_dim3A_54 = arith.constant 1.000000e+00 : f32
    %broadcast_in_dim3A_55 = vector.broadcast %broadcast_in_dim3A_54 : f32 to vector<128x1xf32>
    %broadcast_in_dim3A_56 = arith.constant 0.000000e+00 : f32
    %broadcast_in_dim3A_57 = vector.broadcast %broadcast_in_dim3A_56 : f32 to vector<128x63xf32>
    %concatenate3A = tpu.concatenate %broadcast_in_dim3A_55, %broadcast_in_dim3A_57 in 1 : vector<128x1xf32>, vector<128x63xf32> -> vector<128x64xf32>
    %slice3A_58 = vector.extract_strided_slice %dot_general3A_50 {offsets = [0, 1024], sizes = [128, 64], strides = [1, 1]} : vector<128x2048xf32> to vector<128x64xf32>
    %slice3A_59 = vector.extract_strided_slice %dot_general3A_50 {offsets = [0, 1088], sizes = [128, 64], strides = [1, 1]} : vector<128x2048xf32> to vector<128x64xf32>
    %slice3A_60 = vector.extract_strided_slice %dot_general3A_50 {offsets = [0, 1152], sizes = [128, 64], strides = [1, 1]} : vector<128x2048xf32> to vector<128x64xf32>
    %slice3A_61 = vector.extract_strided_slice %dot_general3A_50 {offsets = [0, 1216], sizes = [128, 64], strides = [1, 1]} : vector<128x2048xf32> to vector<128x64xf32>
    %slice3A_62 = vector.extract_strided_slice %dot_general3A_50 {offsets = [0, 1280], sizes = [128, 64], strides = [1, 1]} : vector<128x2048xf32> to vector<128x64xf32>
    %slice3A_63 = vector.extract_strided_slice %dot_general3A_50 {offsets = [0, 1344], sizes = [128, 64], strides = [1, 1]} : vector<128x2048xf32> to vector<128x64xf32>
    %slice3A_64 = vector.extract_strided_slice %dot_general3A_50 {offsets = [0, 1408], sizes = [128, 64], strides = [1, 1]} : vector<128x2048xf32> to vector<128x64xf32>
    %slice3A_65 = vector.extract_strided_slice %dot_general3A_50 {offsets = [0, 1472], sizes = [128, 64], strides = [1, 1]} : vector<128x2048xf32> to vector<128x64xf32>
    %slice3A_66 = vector.extract_strided_slice %dot_general3A_50 {offsets = [0, 1536], sizes = [128, 64], strides = [1, 1]} : vector<128x2048xf32> to vector<128x64xf32>
    %slice3A_67 = vector.extract_strided_slice %dot_general3A_50 {offsets = [0, 1600], sizes = [128, 64], strides = [1, 1]} : vector<128x2048xf32> to vector<128x64xf32>
    %slice3A_68 = vector.extract_strided_slice %dot_general3A_50 {offsets = [0, 1664], sizes = [128, 64], strides = [1, 1]} : vector<128x2048xf32> to vector<128x64xf32>
    %slice3A_69 = vector.extract_strided_slice %dot_general3A_50 {offsets = [0, 1728], sizes = [128, 64], strides = [1, 1]} : vector<128x2048xf32> to vector<128x64xf32>
    %slice3A_70 = vector.extract_strided_slice %dot_general3A_50 {offsets = [0, 1792], sizes = [128, 64], strides = [1, 1]} : vector<128x2048xf32> to vector<128x64xf32>
    %slice3A_71 = vector.extract_strided_slice %dot_general3A_50 {offsets = [0, 1856], sizes = [128, 64], strides = [1, 1]} : vector<128x2048xf32> to vector<128x64xf32>
    %slice3A_72 = vector.extract_strided_slice %dot_general3A_50 {offsets = [0, 1920], sizes = [128, 64], strides = [1, 1]} : vector<128x2048xf32> to vector<128x64xf32>
    %slice3A_73 = vector.extract_strided_slice %dot_general3A_50 {offsets = [0, 1984], sizes = [128, 64], strides = [1, 1]} : vector<128x2048xf32> to vector<128x64xf32>
    %concatenate3A_74 = tpu.concatenate %slice3A_58, %concatenate3A, %slice3A_59, %concatenate3A, %slice3A_60, %concatenate3A, %slice3A_61, %concatenate3A, %slice3A_62, %concatenate3A, %slice3A_63, %concatenate3A, %slice3A_64, %concatenate3A, %slice3A_65, %concatenate3A, %slice3A_66, %concatenate3A, %slice3A_67, %concatenate3A, %slice3A_68, %concatenate3A, %slice3A_69, %concatenate3A, %slice3A_70, %concatenate3A, %slice3A_71, %concatenate3A, %slice3A_72, %concatenate3A, %slice3A_73, %concatenate3A in 1 : vector<128x64xf32>, vector<128x64xf32>, vector<128x64xf32>, vector<128x64xf32>, vector<128x64xf32>, vector<128x64xf32>, vector<128x64xf32>, vector<128x64xf32>, vector<128x64xf32>, vector<128x64xf32>, vector<128x64xf32>, vector<128x64xf32>, vector<128x64xf32>, vector<128x64xf32>, vector<128x64xf32>, vector<128x64xf32>, vector<128x64xf32>, vector<128x64xf32>, vector<128x64xf32>, vector<128x64xf32>, vector<128x64xf32>, vector<128x64xf32>, vector<128x64xf32>, vector<128x64xf32>, vector<128x64xf32>, vector<128x64xf32>, vector<128x64xf32>, vector<128x64xf32>, vector<128x64xf32>, vector<128x64xf32>, vector<128x64xf32>, vector<128x64xf32> -> vector<128x2048xf32>
    %swap3A_75 = arith.constant 0 : index
    %swap3A_76 = arith.constant 0 : index
    %swap3A_77 = vector.load %arg9[%swap3A_75, %swap3A_76] : memref<128x2048xf32, #tpu.memory_space<vmem>>, vector<128x2048xf32>
    tpu.vector_store %arg9[%swap3A_75, %swap3A_76], %concatenate3A_74 {strides = array<i32>} : memref<128x2048xf32, #tpu.memory_space<vmem>>, vector<128x2048xf32>,
    return
  }
  func.func @transform_0(%arg0: i32) -> (i32, i32) {
    %c0_i32 = arith.constant 0 : i32
    %c0_i32_0 = arith.constant 0 : i32
    return %arg0, %c0_i32 : i32, i32
  }
  func.func @transform_1(%arg0: i32) -> (i32, i32) {
    %c0_i32 = arith.constant 0 : i32
    %c0_i32_0 = arith.constant 0 : i32
    %c0_i32_1 = arith.constant 0 : i32
    return %c0_i32, %c0_i32_0 : i32, i32
  }
  func.func @transform_2(%arg0: i32) -> (i32, i32) {
    %c0_i32 = arith.constant 0 : i32
    %c0_i32_0 = arith.constant 0 : i32
    %c0_i32_1 = arith.constant 0 : i32
    return %c0_i32, %c0_i32_0 : i32, i32
  }
  func.func @transform_3(%arg0: i32) -> (i32, i32) {
    %c0_i32 = arith.constant 0 : i32
    %c0_i32_0 = arith.constant 0 : i32
    %c0_i32_1 = arith.constant 0 : i32
    return %c0_i32, %c0_i32_0 : i32, i32
  }
  func.func @transform_4(%arg0: i32) -> (i32, i32) {
    %c0_i32 = arith.constant 0 : i32
    %c0_i32_0 = arith.constant 0 : i32
    %c0_i32_1 = arith.constant 0 : i32
    return %c0_i32, %c0_i32_0 : i32, i32
  }
  func.func @transform_5(%arg0: i32) -> (i32, i32) {
    %c0_i32 = arith.constant 0 : i32
    %c0_i32_0 = arith.constant 0 : i32
    %c0_i32_1 = arith.constant 0 : i32
    return %c0_i32, %c0_i32_0 : i32, i32
  }
  func.func @transform_6(%arg0: i32) -> (i32, i32) {
    %c0_i32 = arith.constant 0 : i32
    %c0_i32_0 = arith.constant 0 : i32
    return %arg0, %c0_i32 : i32, i32
  }
  func.func @transform_7(%arg0: i32) -> (i32, i32) {
    %c0_i32 = arith.constant 0 : i32
    %c0_i32_0 = arith.constant 0 : i32
    return %arg0, %c0_i32 : i32, i32
  }
  func.func @transform_8(%arg0: i32) -> (i32, i32) {
    %c0_i32 = arith.constant 0 : i32
    %c0_i32_0 = arith.constant 0 : i32
    return %arg0, %c0_i32 : i32, i32
  }
}

module attributes {stable_mosaic.version = 14 : i64} {
  func.func @_attn_body(%arg0: i32, %arg1: i32, %arg2: memref<10xi32, #tpu.memory_space<smem>>, %arg3: memref<10xi32, #tpu.memory_space<smem>>, %arg4: memref<1x512x512xf32, #tpu.memory_space<vmem>>, %arg5: memref<512x128xf32, #tpu.memory_space<vmem>>, %arg6: memref<512x128xf32, #tpu.memory_space<vmem>>, %arg7: memref<512x256xf32, #tpu.memory_space<vmem>>, %arg8: memref<512x128xf32, #tpu.memory_space<vmem>>, %arg9: memref<512x256xf32, #tpu.memory_space<vmem>>) attributes {dimension_semantics = [#tpu.dimension_semantics<arbitrary>, #tpu.dimension_semantics<arbitrary>], iteration_bounds = array<i64: 8, 10>, scalar_prefetch = 2 : i64, scratch_operands = 1 : i64, tpu.core_type = #tpu.core_type<tc>, window_params = [{transform_indices = @transform_0, window_bounds = array<i64: 1, 512, 512>}, {transform_indices = @transform_1, window_bounds = array<i64: 512, 128>}, {transform_indices = @transform_2, window_bounds = array<i64: 512, 128>}, {transform_indices = @transform_3, window_bounds = array<i64: 512, 256>}, {transform_indices = @transform_4, window_bounds = array<i64: 512, 128>}]} {
    %get3A = arith.index_cast %arg1 : i32 to index
    %get3A_0 = memref.load %arg2[%get3A] : memref<10xi32, #tpu.memory_space<smem>>
    %get3A_1 = arith.index_cast %arg1 : i32 to index
    %get3A_2 = memref.load %arg3[%get3A_1] : memref<10xi32, #tpu.memory_space<smem>>
    %eq3A = arith.constant 0 : i32
    %eq3A_3 = arith.cmpi eq, %get3A_2, %eq3A : i32
    %eq3A_4 = arith.cmpi eq, %get3A_2, %get3A_0 : i32
    %get3A_5 = arith.constant 0 : index
    %get3A_6 = arith.constant 0 : index
    %get3A_7 = arith.constant 0 : index
    %get3A_8 = vector.load %arg4[%get3A_5, %get3A_6, %get3A_7] : memref<1x512x512xf32, #tpu.memory_space<vmem>>, vector<1x512x512xf32>
    %get3A_9 = vector.shape_cast %get3A_8 : vector<1x512x512xf32> to vector<512x512xf32>
    %get3A_10 = arith.constant 0 : index
    %get3A_11 = arith.constant 0 : index
    %get3A_12 = vector.load %arg5[%get3A_10, %get3A_11] : memref<512x128xf32, #tpu.memory_space<vmem>>, vector<512x128xf32>
    %get3A_13 = arith.constant 0 : index
    %get3A_14 = arith.constant 0 : index
    %get3A_15 = vector.load %arg6[%get3A_13, %get3A_14] : memref<512x128xf32, #tpu.memory_space<vmem>>, vector<512x128xf32>
    %get3A_16 = arith.constant 0 : index
    %get3A_17 = arith.constant 0 : index
    %get3A_18 = vector.load %arg7[%get3A_16, %get3A_17] : memref<512x256xf32, #tpu.memory_space<vmem>>, vector<512x256xf32>
    %slice3A = vector.extract_strided_slice %get3A_12 {offsets = [0, 0], sizes = [512, 64], strides = [1, 1]} : vector<512x128xf32> to vector<512x64xf32>
    %slice3A_19 = vector.extract_strided_slice %get3A_15 {offsets = [0, 0], sizes = [512, 64], strides = [1, 1]} : vector<512x128xf32> to vector<512x64xf32>
    %dot_general3A = arith.constant dense<0.000000e+00> : vector<512x512xf32>
    %dot_general3A_20 = tpu.matmul %slice3A, %slice3A_19, %dot_general3A {dimension_numbers = #tpu.dot_dimension_numbers<[1], [1], [0], [0], [0, 0, 1, 0], [], []>, transpose_lhs_hint = false} : vector<512x64xf32>, vector<512x64xf32>, vector<512x512xf32> -> vector<512x512xf32>
    %add3A = arith.addf %dot_general3A_20, %get3A_9 : vector<512x512xf32>
    %exp3A = math.exp %add3A : vector<512x512xf32>
    %slice3A_21 = vector.extract_strided_slice %get3A_18 {offsets = [0, 0], sizes = [512, 128], strides = [1, 1]} : vector<512x256xf32> to vector<512x128xf32>
    %dot_general3A_22 = arith.constant dense<0.000000e+00> : vector<512x128xf32>
    %dot_general3A_23 = tpu.matmul %exp3A, %slice3A_21, %dot_general3A_22 {dimension_numbers = #tpu.dot_dimension_numbers<[1], [0], [0], [1], [0, 0, 1, 1], [], []>, transpose_lhs_hint = false} : vector<512x512xf32>, vector<512x128xf32>, vector<512x128xf32> -> vector<512x128xf32>
    %get3A_24 = arith.constant 0 : index
    %get3A_25 = arith.constant 0 : index
    %get3A_26 = vector.load %arg9[%get3A_24, %get3A_25] : memref<512x256xf32, #tpu.memory_space<vmem>>, vector<512x128xf32>
    %jit3A = arith.constant 0.000000e+00 : f32
    %broadcast_in_dim3A = vector.broadcast %jit3A : f32 to vector<512x128xf32>
    %select_n3A = arith.select %eq3A_3, %broadcast_in_dim3A, %get3A_26 : vector<512x128xf32>
    %add3A_27 = arith.addf %select_n3A, %dot_general3A_23 : vector<512x128xf32>
    %swap3A = arith.constant 0 : index
    %swap3A_28 = arith.constant 0 : index
    %swap3A_29 = vector.load %arg9[%swap3A, %swap3A_28] : memref<512x256xf32, #tpu.memory_space<vmem>>, vector<512x128xf32>
    tpu.vector_store %arg9[%swap3A, %swap3A_28], %add3A_27 {strides = array<i32>} : memref<512x256xf32, #tpu.memory_space<vmem>>, vector<512x128xf32>,
    %convert_element_type3A = arith.extui %eq3A_4 : i1 to i32
    %cond3A = arith.constant 0 : i32
    %cond3A_30 = arith.cmpi ne, %convert_element_type3A, %cond3A : i32
    scf.if %cond3A_30 {
      %slice3A_53 = vector.extract_strided_slice %add3A_27 {offsets = [0, 0], sizes = [512, 64], strides = [1, 1]} : vector<512x128xf32> to vector<512x64xf32>
      %slice3A_54 = vector.extract_strided_slice %add3A_27 {offsets = [0, 64], sizes = [512, 1], strides = [1, 1]} : vector<512x128xf32> to vector<512x1xf32>
      %div3A = vector.broadcast %slice3A_54 : vector<512x1xf32> to vector<512x64xf32>
      %div3A_55 = arith.divf %slice3A_53, %div3A : vector<512x64xf32>
      %swap3A_56 = arith.constant 0 : index
      %swap3A_57 = arith.constant 0 : index
      %swap3A_58 = vector.load %arg8[%swap3A_56, %swap3A_57] : memref<512x128xf32, #tpu.memory_space<vmem>>, vector<512x64xf32>
      tpu.vector_store %arg8[%swap3A_56, %swap3A_57], %div3A_55 {strides = array<i32>} : memref<512x128xf32, #tpu.memory_space<vmem>>, vector<512x64xf32>,
    } else {
    }
    %slice3A_31 = vector.extract_strided_slice %get3A_12 {offsets = [0, 64], sizes = [512, 64], strides = [1, 1]} : vector<512x128xf32> to vector<512x64xf32>
    %slice3A_32 = vector.extract_strided_slice %get3A_15 {offsets = [0, 64], sizes = [512, 64], strides = [1, 1]} : vector<512x128xf32> to vector<512x64xf32>
    %dot_general3A_33 = arith.constant dense<0.000000e+00> : vector<512x512xf32>
    %dot_general3A_34 = tpu.matmul %slice3A_31, %slice3A_32, %dot_general3A_33 {dimension_numbers = #tpu.dot_dimension_numbers<[1], [1], [0], [0], [0, 0, 1, 0], [], []>, transpose_lhs_hint = false} : vector<512x64xf32>, vector<512x64xf32>, vector<512x512xf32> -> vector<512x512xf32>
    %add3A_35 = arith.addf %dot_general3A_34, %get3A_9 : vector<512x512xf32>
    %exp3A_36 = math.exp %add3A_35 : vector<512x512xf32>
    %slice3A_37 = vector.extract_strided_slice %get3A_18 {offsets = [0, 128], sizes = [512, 128], strides = [1, 1]} : vector<512x256xf32> to vector<512x128xf32>
    %dot_general3A_38 = arith.constant dense<0.000000e+00> : vector<512x128xf32>
    %dot_general3A_39 = tpu.matmul %exp3A_36, %slice3A_37, %dot_general3A_38 {dimension_numbers = #tpu.dot_dimension_numbers<[1], [0], [0], [1], [0, 0, 1, 1], [], []>, transpose_lhs_hint = false} : vector<512x512xf32>, vector<512x128xf32>, vector<512x128xf32> -> vector<512x128xf32>
    %get3A_40 = arith.constant 0 : index
    %get3A_41 = arith.constant 128 : index
    %get3A_42 = vector.load %arg9[%get3A_40, %get3A_41] : memref<512x256xf32, #tpu.memory_space<vmem>>, vector<512x128xf32>
    %jit3A_43 = arith.constant 0.000000e+00 : f32
    %broadcast_in_dim3A_44 = vector.broadcast %jit3A_43 : f32 to vector<512x128xf32>
    %select_n3A_45 = arith.select %eq3A_3, %broadcast_in_dim3A_44, %get3A_42 : vector<512x128xf32>
    %add3A_46 = arith.addf %select_n3A_45, %dot_general3A_39 : vector<512x128xf32>
    %swap3A_47 = arith.constant 0 : index
    %swap3A_48 = arith.constant 128 : index
    %swap3A_49 = vector.load %arg9[%swap3A_47, %swap3A_48] : memref<512x256xf32, #tpu.memory_space<vmem>>, vector<512x128xf32>
    tpu.vector_store %arg9[%swap3A_47, %swap3A_48], %add3A_46 {strides = array<i32>} : memref<512x256xf32, #tpu.memory_space<vmem>>, vector<512x128xf32>,
    %convert_element_type3A_50 = arith.extui %eq3A_4 : i1 to i32
    %cond3A_51 = arith.constant 0 : i32
    %cond3A_52 = arith.cmpi ne, %convert_element_type3A_50, %cond3A_51 : i32
    scf.if %cond3A_52 {
      %slice3A_53 = vector.extract_strided_slice %add3A_46 {offsets = [0, 0], sizes = [512, 64], strides = [1, 1]} : vector<512x128xf32> to vector<512x64xf32>
      %slice3A_54 = vector.extract_strided_slice %add3A_46 {offsets = [0, 64], sizes = [512, 1], strides = [1, 1]} : vector<512x128xf32> to vector<512x1xf32>
      %div3A = vector.broadcast %slice3A_54 : vector<512x1xf32> to vector<512x64xf32>
      %div3A_55 = arith.divf %slice3A_53, %div3A : vector<512x64xf32>
      %swap3A_56 = arith.constant 0 : index
      %swap3A_57 = arith.constant 64 : index
      %swap3A_58 = vector.load %arg8[%swap3A_56, %swap3A_57] : memref<512x128xf32, #tpu.memory_space<vmem>>, vector<512x64xf32>
      tpu.vector_store %arg8[%swap3A_56, %swap3A_57], %div3A_55 {strides = array<i32>} : memref<512x128xf32, #tpu.memory_space<vmem>>, vector<512x64xf32>,
    } else {
    }
    return
  }
  func.func @transform_0(%arg0: i32, %arg1: i32, %arg2: memref<10xi32, #tpu.memory_space<smem>>, %arg3: memref<10xi32, #tpu.memory_space<smem>>) -> (i32, i32, i32) {
    %get3A = arith.index_cast %arg1 : i32 to index
    %get3A_0 = memref.load %arg2[%get3A] : memref<10xi32, #tpu.memory_space<smem>>
    %get3A_1 = arith.index_cast %arg1 : i32 to index
    %get3A_2 = memref.load %arg3[%get3A_1] : memref<10xi32, #tpu.memory_space<smem>>
    %eq3A = arith.cmpi eq, %get3A_0, %get3A_2 : i32
    %convert_element_type3A = arith.extui %eq3A : i1 to i32
    %c0_i32 = arith.constant 0 : i32
    %c0_i32_3 = arith.constant 0 : i32
    %c0_i32_4 = arith.constant 0 : i32
    return %convert_element_type3A, %c0_i32, %c0_i32_3 : i32, i32, i32
  }
  func.func @transform_1(%arg0: i32, %arg1: i32, %arg2: memref<10xi32, #tpu.memory_space<smem>>, %arg3: memref<10xi32, #tpu.memory_space<smem>>) -> (i32, i32) {
    %get3A = arith.index_cast %arg1 : i32 to index
    %get3A_0 = memref.load %arg2[%get3A] : memref<10xi32, #tpu.memory_space<smem>>
    %c0_i32 = arith.constant 0 : i32
    return %get3A_0, %arg0 : i32, i32
  }
  func.func @transform_2(%arg0: i32, %arg1: i32, %arg2: memref<10xi32, #tpu.memory_space<smem>>, %arg3: memref<10xi32, #tpu.memory_space<smem>>) -> (i32, i32) {
    %get3A = arith.index_cast %arg1 : i32 to index
    %get3A_0 = memref.load %arg3[%get3A] : memref<10xi32, #tpu.memory_space<smem>>
    %c0_i32 = arith.constant 0 : i32
    return %get3A_0, %arg0 : i32, i32
  }
  func.func @transform_3(%arg0: i32, %arg1: i32, %arg2: memref<10xi32, #tpu.memory_space<smem>>, %arg3: memref<10xi32, #tpu.memory_space<smem>>) -> (i32, i32) {
    %get3A = arith.index_cast %arg1 : i32 to index
    %get3A_0 = memref.load %arg3[%get3A] : memref<10xi32, #tpu.memory_space<smem>>
    %c0_i32 = arith.constant 0 : i32
    return %get3A_0, %arg0 : i32, i32
  }
  func.func @transform_4(%arg0: i32, %arg1: i32, %arg2: memref<10xi32, #tpu.memory_space<smem>>, %arg3: memref<10xi32, #tpu.memory_space<smem>>) -> (i32, i32) {
    %get3A = arith.index_cast %arg1 : i32 to index
    %get3A_0 = memref.load %arg2[%get3A] : memref<10xi32, #tpu.memory_space<smem>>
    %c0_i32 = arith.constant 0 : i32
    return %get3A_0, %arg0 : i32, i32
  }
}

module attributes {stable_mosaic.version = 14 : i64} {
  func.func @_post_body(%arg0: i32, %arg1: memref<128x1024xf32, #tpu.memory_space<vmem>>, %arg2: memref<128x1024xf32, #tpu.memory_space<vmem>>, %arg3: memref<1024x1024xf32, #tpu.memory_space<vmem>>, %arg4: memref<1x1024xf32, #tpu.memory_space<vmem>>, %arg5: memref<1024x64xf32, #tpu.memory_space<vmem>>, %arg6: memref<1x64xf32, #tpu.memory_space<vmem>>, %arg7: memref<1024x512xf32, #tpu.memory_space<vmem>>, %arg8: memref<512x1024xf32, #tpu.memory_space<vmem>>, %arg9: memref<1024x512xf32, #tpu.memory_space<vmem>>, %arg10: memref<128x1024xf32, #tpu.memory_space<vmem>>, %arg11: memref<128x1024xf32, #tpu.memory_space<vmem>>, %arg12: memref<128x64xf32, #tpu.memory_space<vmem>>) attributes {dimension_semantics = [#tpu.dimension_semantics<arbitrary>], iteration_bounds = array<i64: 16>, scalar_prefetch = 0 : i64, scratch_operands = 0 : i64, tpu.core_type = #tpu.core_type<tc>, window_params = [{transform_indices = @transform_0, window_bounds = array<i64: 128, 1024>}, {transform_indices = @transform_1, window_bounds = array<i64: 128, 1024>}, {pipeline_mode = #tpu.pipeline_mode<synchronous>, transform_indices = @transform_2, window_bounds = array<i64: 1024, 1024>}, {pipeline_mode = #tpu.pipeline_mode<synchronous>, transform_indices = @transform_3, window_bounds = array<i64: 1, 1024>}, {pipeline_mode = #tpu.pipeline_mode<synchronous>, transform_indices = @transform_4, window_bounds = array<i64: 1024, 64>}, {pipeline_mode = #tpu.pipeline_mode<synchronous>, transform_indices = @transform_5, window_bounds = array<i64: 1, 64>}, {pipeline_mode = #tpu.pipeline_mode<synchronous>, transform_indices = @transform_6, window_bounds = array<i64: 1024, 512>}, {pipeline_mode = #tpu.pipeline_mode<synchronous>, transform_indices = @transform_7, window_bounds = array<i64: 512, 1024>}, {pipeline_mode = #tpu.pipeline_mode<synchronous>, transform_indices = @transform_8, window_bounds = array<i64: 1024, 512>}, {transform_indices = @transform_9, window_bounds = array<i64: 128, 1024>}, {transform_indices = @transform_10, window_bounds = array<i64: 128, 1024>}, {transform_indices = @transform_11, window_bounds = array<i64: 128, 64>}]} {
    %get3A = arith.constant 0 : index
    %get3A_0 = arith.constant 0 : index
    %get3A_1 = vector.load %arg1[%get3A, %get3A_0] : memref<128x1024xf32, #tpu.memory_space<vmem>>, vector<128x1024xf32>
    %get3A_2 = arith.constant 0 : index
    %get3A_3 = arith.constant 0 : index
    %get3A_4 = vector.load %arg2[%get3A_2, %get3A_3] : memref<128x1024xf32, #tpu.memory_space<vmem>>, vector<128x1024xf32>
    %get3A_5 = arith.constant 0 : index
    %get3A_6 = arith.constant 0 : index
    %get3A_7 = vector.load %arg3[%get3A_5, %get3A_6] : memref<1024x1024xf32, #tpu.memory_space<vmem>>, vector<1024x1024xf32>
    %dot_general3A = arith.constant dense<0.000000e+00> : vector<128x1024xf32>
    %dot_general3A_8 = tpu.matmul %get3A_4, %get3A_7, %dot_general3A {dimension_numbers = #tpu.dot_dimension_numbers<[1], [0], [0], [1], [0, 0, 1, 1], [], []>, transpose_lhs_hint = false} : vector<128x1024xf32>, vector<1024x1024xf32>, vector<128x1024xf32> -> vector<128x1024xf32>
    %add3A = arith.addf %get3A_1, %dot_general3A_8 : vector<128x1024xf32>
    %get3A_9 = arith.constant 0 : index
    %get3A_10 = arith.constant 0 : index
    %get3A_11 = vector.load %arg4[%get3A_9, %get3A_10] : memref<1x1024xf32, #tpu.memory_space<vmem>>, vector<1x1024xf32>
    %mul3A = arith.mulf %add3A, %add3A : vector<128x1024xf32>
    %reduce_sum3A = arith.constant dense<0.000000e+00> : vector<128xf32>
    %reduce_sum3A_12 = vector.multi_reduction <add>, %mul3A, %reduce_sum3A [1] : vector<128x1024xf32> to vector<128xf32>
    %broadcast_in_dim3A = vector.shape_cast %reduce_sum3A_12 : vector<128xf32> to vector<128x1xf32>
    %div3A = arith.constant 1.024000e+03 : f32
    %div3A_13 = vector.broadcast %div3A : f32 to vector<128x1xf32>
    %div3A_14 = arith.divf %broadcast_in_dim3A, %div3A_13 : vector<128x1xf32>
    %add3A_15 = arith.constant 9.99999997E-7 : f32
    %add3A_16 = vector.broadcast %add3A_15 : f32 to vector<128x1xf32>
    %add3A_17 = arith.addf %div3A_14, %add3A_16 : vector<128x1xf32>
    %rsqrt3A = math.rsqrt %add3A_17 : vector<128x1xf32>
    %mul3A_18 = vector.broadcast %rsqrt3A : vector<128x1xf32> to vector<128x1024xf32>
    %mul3A_19 = arith.mulf %add3A, %mul3A_18 : vector<128x1024xf32>
    %mul3A_20 = vector.broadcast %get3A_11 : vector<1x1024xf32> to vector<128x1024xf32>
    %mul3A_21 = arith.mulf %mul3A_20, %mul3A_19 : vector<128x1024xf32>
    %get3A_22 = arith.constant 0 : index
    %get3A_23 = arith.constant 0 : index
    %get3A_24 = vector.load %arg5[%get3A_22, %get3A_23] : memref<1024x64xf32, #tpu.memory_space<vmem>>, vector<1024x64xf32>
    %dot_general3A_25 = arith.constant dense<0.000000e+00> : vector<128x64xf32>
    %dot_general3A_26 = tpu.matmul %mul3A_21, %get3A_24, %dot_general3A_25 {dimension_numbers = #tpu.dot_dimension_numbers<[1], [0], [0], [1], [0, 0, 1, 1], [], []>, transpose_lhs_hint = false} : vector<128x1024xf32>, vector<1024x64xf32>, vector<128x64xf32> -> vector<128x64xf32>
    %get3A_27 = arith.constant 0 : index
    %get3A_28 = arith.constant 0 : index
    %get3A_29 = vector.load %arg6[%get3A_27, %get3A_28] : memref<1x64xf32, #tpu.memory_space<vmem>>, vector<1x64xf32>
    %add3A_30 = vector.broadcast %get3A_29 : vector<1x64xf32> to vector<128x64xf32>
    %add3A_31 = arith.addf %dot_general3A_26, %add3A_30 : vector<128x64xf32>
    %reduce_max3A = arith.constant dense<0xFF800000> : vector<128xf32>
    %reduce_max3A_32 = vector.multi_reduction <maximumf>, %add3A_31, %reduce_max3A [1] : vector<128x64xf32> to vector<128xf32>
    %broadcast_in_dim3A_33 = vector.shape_cast %reduce_max3A_32 : vector<128xf32> to vector<128x1xf32>
    %sub3A = vector.broadcast %broadcast_in_dim3A_33 : vector<128x1xf32> to vector<128x64xf32>
    %sub3A_34 = arith.subf %add3A_31, %sub3A : vector<128x64xf32>
    %exp3A = math.exp %sub3A_34 : vector<128x64xf32>
    %reduce_sum3A_35 = arith.constant dense<0.000000e+00> : vector<128xf32>
    %reduce_sum3A_36 = vector.multi_reduction <add>, %exp3A, %reduce_sum3A_35 [1] : vector<128x64xf32> to vector<128xf32>
    %broadcast_in_dim3A_37 = vector.shape_cast %reduce_sum3A_36 : vector<128xf32> to vector<128x1xf32>
    %div3A_38 = vector.broadcast %broadcast_in_dim3A_37 : vector<128x1xf32> to vector<128x64xf32>
    %div3A_39 = arith.divf %exp3A, %div3A_38 : vector<128x64xf32>
    %swap3A = arith.constant 0 : index
    %swap3A_40 = arith.constant 0 : index
    %swap3A_41 = vector.load %arg12[%swap3A, %swap3A_40] : memref<128x64xf32, #tpu.memory_space<vmem>>, vector<128x64xf32>
    tpu.vector_store %arg12[%swap3A, %swap3A_40], %div3A_39 {strides = array<i32>} : memref<128x64xf32, #tpu.memory_space<vmem>>, vector<128x64xf32>,
    %convert_element_type3A = arith.truncf %mul3A_21 : vector<128x1024xf32> to vector<128x1024xbf16>
    %get3A_42 = arith.constant 0 : index
    %get3A_43 = arith.constant 0 : index
    %get3A_44 = vector.load %arg7[%get3A_42, %get3A_43] : memref<1024x512xf32, #tpu.memory_space<vmem>>, vector<1024x512xf32>
    %convert_element_type3A_45 = arith.truncf %get3A_44 : vector<1024x512xf32> to vector<1024x512xbf16>
    %dot_general3A_46 = arith.constant dense<0.000000e+00> : vector<128x512xf32>
    %dot_general3A_47 = tpu.matmul %convert_element_type3A, %convert_element_type3A_45, %dot_general3A_46 {dimension_numbers = #tpu.dot_dimension_numbers<[1], [0], [0], [1], [0, 0, 1, 1], [], []>, transpose_lhs_hint = false} : vector<128x1024xbf16>, vector<1024x512xbf16>, vector<128x512xf32> -> vector<128x512xf32>
    %get3A_48 = arith.constant 0 : index
    %get3A_49 = arith.constant 0 : index
    %get3A_50 = vector.load %arg9[%get3A_48, %get3A_49] : memref<1024x512xf32, #tpu.memory_space<vmem>>, vector<1024x512xf32>
    %convert_element_type3A_51 = arith.truncf %get3A_50 : vector<1024x512xf32> to vector<1024x512xbf16>
    %dot_general3A_52 = arith.constant dense<0.000000e+00> : vector<128x512xf32>
    %dot_general3A_53 = tpu.matmul %convert_element_type3A, %convert_element_type3A_51, %dot_general3A_52 {dimension_numbers = #tpu.dot_dimension_numbers<[1], [0], [0], [1], [0, 0, 1, 1], [], []>, transpose_lhs_hint = false} : vector<128x1024xbf16>, vector<1024x512xbf16>, vector<128x512xf32> -> vector<128x512xf32>
    %neg3A = arith.constant 0.000000e+00 : f32
    %neg3A_54 = vector.broadcast %neg3A : f32 to vector<128x512xf32>
    %neg3A_55 = arith.subf %neg3A_54, %dot_general3A_47 : vector<128x512xf32>
    %exp3A_56 = math.exp %neg3A_55 : vector<128x512xf32>
    %add3A_57 = arith.constant 1.000000e+00 : f32
    %add3A_58 = vector.broadcast %add3A_57 : f32 to vector<128x512xf32>
    %add3A_59 = arith.addf %add3A_58, %exp3A_56 : vector<128x512xf32>
    %div3A_60 = arith.constant 1.000000e+00 : f32
    %div3A_61 = vector.broadcast %div3A_60 : f32 to vector<128x512xf32>
    %div3A_62 = arith.divf %div3A_61, %add3A_59 : vector<128x512xf32>
    %mul3A_63 = arith.mulf %dot_general3A_47, %div3A_62 : vector<128x512xf32>
    %mul3A_64 = arith.mulf %mul3A_63, %dot_general3A_53 : vector<128x512xf32>
    %convert_element_type3A_65 = arith.truncf %mul3A_64 : vector<128x512xf32> to vector<128x512xbf16>
    %get3A_66 = arith.constant 0 : index
    %get3A_67 = arith.constant 0 : index
    %get3A_68 = vector.load %arg8[%get3A_66, %get3A_67] : memref<512x1024xf32, #tpu.memory_space<vmem>>, vector<512x1024xf32>
    %convert_element_type3A_69 = arith.truncf %get3A_68 : vector<512x1024xf32> to vector<512x1024xbf16>
    %dot_general3A_70 = arith.constant dense<0.000000e+00> : vector<128x1024xf32>
    %dot_general3A_71 = tpu.matmul %convert_element_type3A_65, %convert_element_type3A_69, %dot_general3A_70 {dimension_numbers = #tpu.dot_dimension_numbers<[1], [0], [0], [1], [0, 0, 1, 1], [], []>, transpose_lhs_hint = false} : vector<128x512xbf16>, vector<512x1024xbf16>, vector<128x1024xf32> -> vector<128x1024xf32>
    %add3A_72 = arith.addf %add3A, %dot_general3A_71 : vector<128x1024xf32>
    %swap3A_73 = arith.constant 0 : index
    %swap3A_74 = arith.constant 0 : index
    %swap3A_75 = vector.load %arg10[%swap3A_73, %swap3A_74] : memref<128x1024xf32, #tpu.memory_space<vmem>>, vector<128x1024xf32>
    tpu.vector_store %arg10[%swap3A_73, %swap3A_74], %add3A_72 {strides = array<i32>} : memref<128x1024xf32, #tpu.memory_space<vmem>>, vector<128x1024xf32>,
    %swap3A_76 = arith.constant 0 : index
    %swap3A_77 = arith.constant 0 : index
    %swap3A_78 = vector.load %arg11[%swap3A_76, %swap3A_77] : memref<128x1024xf32, #tpu.memory_space<vmem>>, vector<128x1024xf32>
    tpu.vector_store %arg11[%swap3A_76, %swap3A_77], %mul3A_21 {strides = array<i32>} : memref<128x1024xf32, #tpu.memory_space<vmem>>, vector<128x1024xf32>,
    return
  }
  func.func @transform_0(%arg0: i32) -> (i32, i32) {
    %c0_i32 = arith.constant 0 : i32
    %c0_i32_0 = arith.constant 0 : i32
    return %arg0, %c0_i32 : i32, i32
  }
  func.func @transform_1(%arg0: i32) -> (i32, i32) {
    %c0_i32 = arith.constant 0 : i32
    %c0_i32_0 = arith.constant 0 : i32
    return %arg0, %c0_i32 : i32, i32
  }
  func.func @transform_2(%arg0: i32) -> (i32, i32) {
    %c0_i32 = arith.constant 0 : i32
    %c0_i32_0 = arith.constant 0 : i32
    %c0_i32_1 = arith.constant 0 : i32
    return %c0_i32, %c0_i32_0 : i32, i32
  }
  func.func @transform_3(%arg0: i32) -> (i32, i32) {
    %c0_i32 = arith.constant 0 : i32
    %c0_i32_0 = arith.constant 0 : i32
    %c0_i32_1 = arith.constant 0 : i32
    return %c0_i32, %c0_i32_0 : i32, i32
  }
  func.func @transform_4(%arg0: i32) -> (i32, i32) {
    %c0_i32 = arith.constant 0 : i32
    %c0_i32_0 = arith.constant 0 : i32
    %c0_i32_1 = arith.constant 0 : i32
    return %c0_i32, %c0_i32_0 : i32, i32
  }
  func.func @transform_5(%arg0: i32) -> (i32, i32) {
    %c0_i32 = arith.constant 0 : i32
    %c0_i32_0 = arith.constant 0 : i32
    %c0_i32_1 = arith.constant 0 : i32
    return %c0_i32, %c0_i32_0 : i32, i32
  }
  func.func @transform_6(%arg0: i32) -> (i32, i32) {
    %c0_i32 = arith.constant 0 : i32
    %c0_i32_0 = arith.constant 0 : i32
    %c0_i32_1 = arith.constant 0 : i32
    return %c0_i32, %c0_i32_0 : i32, i32
  }
  func.func @transform_7(%arg0: i32) -> (i32, i32) {
    %c0_i32 = arith.constant 0 : i32
    %c0_i32_0 = arith.constant 0 : i32
    %c0_i32_1 = arith.constant 0 : i32
    return %c0_i32, %c0_i32_0 : i32, i32
  }
  func.func @transform_8(%arg0: i32) -> (i32, i32) {
    %c0_i32 = arith.constant 0 : i32
    %c0_i32_0 = arith.constant 0 : i32
    %c0_i32_1 = arith.constant 0 : i32
    return %c0_i32, %c0_i32_0 : i32, i32
  }
  func.func @transform_9(%arg0: i32) -> (i32, i32) {
    %c0_i32 = arith.constant 0 : i32
    %c0_i32_0 = arith.constant 0 : i32
    return %arg0, %c0_i32 : i32, i32
  }
  func.func @transform_10(%arg0: i32) -> (i32, i32) {
    %c0_i32 = arith.constant 0 : i32
    %c0_i32_0 = arith.constant 0 : i32
    return %arg0, %c0_i32 : i32, i32
  }
  func.func @transform_11(%arg0: i32) -> (i32, i32) {
    %c0_i32 = arith.constant 0 : i32
    %c0_i32_0 = arith.constant 0 : i32
    return %arg0, %c0_i32 : i32, i32
  }
}

module attributes {stable_mosaic.version = 14 : i64} {
  func.func @_route_body(%arg0: memref<2048x64xf32, #tpu.memory_space<vmem>>, %arg1: memref<2048x1xf32, #tpu.memory_space<vmem>>, %arg2: memref<2048x1xf32, #tpu.memory_space<vmem>>, %arg3: memref<2048x1xi32, #tpu.memory_space<vmem>>, %arg4: memref<2048x1xi32, #tpu.memory_space<vmem>>, %arg5: memref<128x1xi32, #tpu.memory_space<vmem>>) attributes {dimension_semantics = [], scalar_prefetch = 0 : i64, scratch_operands = 0 : i64, tpu.core_type = #tpu.core_type<tc>} {
    %get3A = arith.constant 0 : index
    %get3A_0 = arith.constant 0 : index
    %get3A_1 = vector.load %arg0[%get3A, %get3A_0] : memref<2048x64xf32, #tpu.memory_space<vmem>>, vector<2048x64xf32>
    %iota3A = tpu.iota {dimensions = array<i32: 1>} : vector<2048x64xi32>
    %reduce_max3A = arith.constant dense<0xFF800000> : vector<2048xf32>
    %reduce_max3A_2 = vector.multi_reduction <maximumf>, %get3A_1, %reduce_max3A [1] : vector<2048x64xf32> to vector<2048xf32>
    %broadcast_in_dim3A = vector.shape_cast %reduce_max3A_2 : vector<2048xf32> to vector<2048x1xf32>
    %eq3A = vector.broadcast %broadcast_in_dim3A : vector<2048x1xf32> to vector<2048x64xf32>
    %eq3A_3 = arith.cmpf oeq, %get3A_1, %eq3A : vector<2048x64xf32>
    %jit3A = arith.constant 64 : i32
    %broadcast_in_dim3A_4 = vector.broadcast %jit3A : i32 to vector<2048x64xi32>
    %select_n3A = arith.select %eq3A_3, %iota3A, %broadcast_in_dim3A_4 : vector<2048x64xi1>, vector<2048x64xi32>
    %reduce_min3A = arith.constant dense<2147483647> : vector<2048xi32>
    %reduce_min3A_5 = vector.multi_reduction <minsi>, %select_n3A, %reduce_min3A [1] : vector<2048x64xi32> to vector<2048xi32>
    %broadcast_in_dim3A_6 = vector.shape_cast %reduce_min3A_5 : vector<2048xi32> to vector<2048x1xi32>
    %eq3A_7 = vector.broadcast %broadcast_in_dim3A_6 : vector<2048x1xi32> to vector<2048x64xi32>
    %eq3A_8 = arith.cmpi eq, %iota3A, %eq3A_7 : vector<2048x64xi32>
    %convert_element_type3A = arith.extui %eq3A_8 : vector<2048x64xi1> to vector<2048x64xi32>
    %convert_element_type3A_9 = arith.sitofp %convert_element_type3A : vector<2048x64xi32> to vector<2048x64xf32>
    %jit3A_10 = arith.constant -1.000000e+00 : f32
    %broadcast_in_dim3A_11 = vector.broadcast %jit3A_10 : f32 to vector<2048x64xf32>
    %select_n3A_12 = arith.select %eq3A_8, %broadcast_in_dim3A_11, %get3A_1 : vector<2048x64xi1>, vector<2048x64xf32>
    %reduce_max3A_13 = arith.constant dense<0xFF800000> : vector<2048xf32>
    %reduce_max3A_14 = vector.multi_reduction <maximumf>, %select_n3A_12, %reduce_max3A_13 [1] : vector<2048x64xf32> to vector<2048xf32>
    %broadcast_in_dim3A_15 = vector.shape_cast %reduce_max3A_14 : vector<2048xf32> to vector<2048x1xf32>
    %eq3A_16 = vector.broadcast %broadcast_in_dim3A_15 : vector<2048x1xf32> to vector<2048x64xf32>
    %eq3A_17 = arith.cmpf oeq, %select_n3A_12, %eq3A_16 : vector<2048x64xf32>
    %jit3A_18 = arith.constant 64 : i32
    %broadcast_in_dim3A_19 = vector.broadcast %jit3A_18 : i32 to vector<2048x64xi32>
    %select_n3A_20 = arith.select %eq3A_17, %iota3A, %broadcast_in_dim3A_19 : vector<2048x64xi1>, vector<2048x64xi32>
    %reduce_min3A_21 = arith.constant dense<2147483647> : vector<2048xi32>
    %reduce_min3A_22 = vector.multi_reduction <minsi>, %select_n3A_20, %reduce_min3A_21 [1] : vector<2048x64xi32> to vector<2048xi32>
    %broadcast_in_dim3A_23 = vector.shape_cast %reduce_min3A_22 : vector<2048xi32> to vector<2048x1xi32>
    %eq3A_24 = vector.broadcast %broadcast_in_dim3A_23 : vector<2048x1xi32> to vector<2048x64xi32>
    %eq3A_25 = arith.cmpi eq, %iota3A, %eq3A_24 : vector<2048x64xi32>
    %convert_element_type3A_26 = arith.extui %eq3A_25 : vector<2048x64xi1> to vector<2048x64xi32>
    %convert_element_type3A_27 = arith.sitofp %convert_element_type3A_26 : vector<2048x64xi32> to vector<2048x64xf32>
    %add3A = arith.addf %broadcast_in_dim3A, %broadcast_in_dim3A_15 : vector<2048x1xf32>
    %div3A = arith.divf %broadcast_in_dim3A, %add3A : vector<2048x1xf32>
    %swap3A = arith.constant 0 : index
    %swap3A_28 = arith.constant 0 : index
    %swap3A_29 = vector.load %arg1[%swap3A, %swap3A_28] : memref<2048x1xf32, #tpu.memory_space<vmem>>, vector<2048x1xf32>
    tpu.vector_store %arg1[%swap3A, %swap3A_28], %div3A {strides = array<i32>} : memref<2048x1xf32, #tpu.memory_space<vmem>>, vector<2048x1xf32>,
    %div3A_30 = arith.divf %broadcast_in_dim3A_15, %add3A : vector<2048x1xf32>
    %swap3A_31 = arith.constant 0 : index
    %swap3A_32 = arith.constant 0 : index
    %swap3A_33 = vector.load %arg2[%swap3A_31, %swap3A_32] : memref<2048x1xf32, #tpu.memory_space<vmem>>, vector<2048x1xf32>
    tpu.vector_store %arg2[%swap3A_31, %swap3A_32], %div3A_30 {strides = array<i32>} : memref<2048x1xf32, #tpu.memory_space<vmem>>, vector<2048x1xf32>,
    %iota3A_34 = tpu.iota {dimensions = array<i32: 0>} : vector<128x128xi32>
    %iota3A_35 = tpu.iota {dimensions = array<i32: 1>} : vector<128x128xi32>
    %gt3A = arith.cmpi sgt, %iota3A_34, %iota3A_35 : vector<128x128xi32>
    %convert_element_type3A_36 = arith.extui %gt3A : vector<128x128xi1> to vector<128x128xi32>
    %convert_element_type3A_37 = arith.sitofp %convert_element_type3A_36 : vector<128x128xi32> to vector<128x128xf32>
    %broadcast_in_dim3A_38 = arith.constant 0.000000e+00 : f32
    %broadcast_in_dim3A_39 = vector.broadcast %broadcast_in_dim3A_38 : f32 to vector<1x64xf32>
    %slice3A = vector.extract_strided_slice %convert_element_type3A_9 {offsets = [0, 0], sizes = [128, 64], strides = [1, 1]} : vector<2048x64xf32> to vector<128x64xf32>
    %dot_general3A = arith.constant dense<0.000000e+00> : vector<128x64xf32>
    %dot_general3A_40 = tpu.matmul %convert_element_type3A_37, %slice3A, %dot_general3A {dimension_numbers = #tpu.dot_dimension_numbers<[1], [0], [0], [1], [0, 0, 1, 1], [], []>, transpose_lhs_hint = false} : vector<128x128xf32>, vector<128x64xf32>, vector<128x64xf32> -> vector<128x64xf32>
    %add3A_41 = vector.broadcast %broadcast_in_dim3A_39 : vector<1x64xf32> to vector<128x64xf32>
    %add3A_42 = arith.addf %dot_general3A_40, %add3A_41 : vector<128x64xf32>
    %mul3A = arith.mulf %add3A_42, %slice3A : vector<128x64xf32>
    %reduce_sum3A = arith.constant dense<0.000000e+00> : vector<128xf32>
    %reduce_sum3A_43 = vector.multi_reduction <add>, %mul3A, %reduce_sum3A [1] : vector<128x64xf32> to vector<128xf32>
    %broadcast_in_dim3A_44 = vector.shape_cast %reduce_sum3A_43 : vector<128xf32> to vector<128x1xf32>
    %reduce_sum3A_45 = arith.constant dense<0.000000e+00> : vector<64xf32>
    %reduce_sum3A_46 = vector.multi_reduction <add>, %slice3A, %reduce_sum3A_45 [0] : vector<128x64xf32> to vector<64xf32>
    %broadcast_in_dim3A_47 = vector.shape_cast %reduce_sum3A_46 : vector<64xf32> to vector<1x64xf32>
    %add3A_48 = arith.addf %broadcast_in_dim3A_39, %broadcast_in_dim3A_47 : vector<1x64xf32>
    %slice3A_49 = vector.extract_strided_slice %convert_element_type3A_9 {offsets = [128, 0], sizes = [128, 64], strides = [1, 1]} : vector<2048x64xf32> to vector<128x64xf32>
    %dot_general3A_50 = arith.constant dense<0.000000e+00> : vector<128x64xf32>
    %dot_general3A_51 = tpu.matmul %convert_element_type3A_37, %slice3A_49, %dot_general3A_50 {dimension_numbers = #tpu.dot_dimension_numbers<[1], [0], [0], [1], [0, 0, 1, 1], [], []>, transpose_lhs_hint = false} : vector<128x128xf32>, vector<128x64xf32>, vector<128x64xf32> -> vector<128x64xf32>
    %add3A_52 = vector.broadcast %add3A_48 : vector<1x64xf32> to vector<128x64xf32>
    %add3A_53 = arith.addf %dot_general3A_51, %add3A_52 : vector<128x64xf32>
    %mul3A_54 = arith.mulf %add3A_53, %slice3A_49 : vector<128x64xf32>
    %reduce_sum3A_55 = arith.constant dense<0.000000e+00> : vector<128xf32>
    %reduce_sum3A_56 = vector.multi_reduction <add>, %mul3A_54, %reduce_sum3A_55 [1] : vector<128x64xf32> to vector<128xf32>
    %broadcast_in_dim3A_57 = vector.shape_cast %reduce_sum3A_56 : vector<128xf32> to vector<128x1xf32>
    %reduce_sum3A_58 = arith.constant dense<0.000000e+00> : vector<64xf32>
    %reduce_sum3A_59 = vector.multi_reduction <add>, %slice3A_49, %reduce_sum3A_58 [0] : vector<128x64xf32> to vector<64xf32>
    %broadcast_in_dim3A_60 = vector.shape_cast %reduce_sum3A_59 : vector<64xf32> to vector<1x64xf32>
    %add3A_61 = arith.addf %add3A_48, %broadcast_in_dim3A_60 : vector<1x64xf32>
    %slice3A_62 = vector.extract_strided_slice %convert_element_type3A_9 {offsets = [256, 0], sizes = [128, 64], strides = [1, 1]} : vector<2048x64xf32> to vector<128x64xf32>
    %dot_general3A_63 = arith.constant dense<0.000000e+00> : vector<128x64xf32>
    %dot_general3A_64 = tpu.matmul %convert_element_type3A_37, %slice3A_62, %dot_general3A_63 {dimension_numbers = #tpu.dot_dimension_numbers<[1], [0], [0], [1], [0, 0, 1, 1], [], []>, transpose_lhs_hint = false} : vector<128x128xf32>, vector<128x64xf32>, vector<128x64xf32> -> vector<128x64xf32>
    %add3A_65 = vector.broadcast %add3A_61 : vector<1x64xf32> to vector<128x64xf32>
    %add3A_66 = arith.addf %dot_general3A_64, %add3A_65 : vector<128x64xf32>
    %mul3A_67 = arith.mulf %add3A_66, %slice3A_62 : vector<128x64xf32>
    %reduce_sum3A_68 = arith.constant dense<0.000000e+00> : vector<128xf32>
    %reduce_sum3A_69 = vector.multi_reduction <add>, %mul3A_67, %reduce_sum3A_68 [1] : vector<128x64xf32> to vector<128xf32>
    %broadcast_in_dim3A_70 = vector.shape_cast %reduce_sum3A_69 : vector<128xf32> to vector<128x1xf32>
    %reduce_sum3A_71 = arith.constant dense<0.000000e+00> : vector<64xf32>
    %reduce_sum3A_72 = vector.multi_reduction <add>, %slice3A_62, %reduce_sum3A_71 [0] : vector<128x64xf32> to vector<64xf32>
    %broadcast_in_dim3A_73 = vector.shape_cast %reduce_sum3A_72 : vector<64xf32> to vector<1x64xf32>
    %add3A_74 = arith.addf %add3A_61, %broadcast_in_dim3A_73 : vector<1x64xf32>
    %slice3A_75 = vector.extract_strided_slice %convert_element_type3A_9 {offsets = [384, 0], sizes = [128, 64], strides = [1, 1]} : vector<2048x64xf32> to vector<128x64xf32>
    %dot_general3A_76 = arith.constant dense<0.000000e+00> : vector<128x64xf32>
    %dot_general3A_77 = tpu.matmul %convert_element_type3A_37, %slice3A_75, %dot_general3A_76 {dimension_numbers = #tpu.dot_dimension_numbers<[1], [0], [0], [1], [0, 0, 1, 1], [], []>, transpose_lhs_hint = false} : vector<128x128xf32>, vector<128x64xf32>, vector<128x64xf32> -> vector<128x64xf32>
    %add3A_78 = vector.broadcast %add3A_74 : vector<1x64xf32> to vector<128x64xf32>
    %add3A_79 = arith.addf %dot_general3A_77, %add3A_78 : vector<128x64xf32>
    %mul3A_80 = arith.mulf %add3A_79, %slice3A_75 : vector<128x64xf32>
    %reduce_sum3A_81 = arith.constant dense<0.000000e+00> : vector<128xf32>
    %reduce_sum3A_82 = vector.multi_reduction <add>, %mul3A_80, %reduce_sum3A_81 [1] : vector<128x64xf32> to vector<128xf32>
    %broadcast_in_dim3A_83 = vector.shape_cast %reduce_sum3A_82 : vector<128xf32> to vector<128x1xf32>
    %reduce_sum3A_84 = arith.constant dense<0.000000e+00> : vector<64xf32>
    %reduce_sum3A_85 = vector.multi_reduction <add>, %slice3A_75, %reduce_sum3A_84 [0] : vector<128x64xf32> to vector<64xf32>
    %broadcast_in_dim3A_86 = vector.shape_cast %reduce_sum3A_85 : vector<64xf32> to vector<1x64xf32>
    %add3A_87 = arith.addf %add3A_74, %broadcast_in_dim3A_86 : vector<1x64xf32>
    %slice3A_88 = vector.extract_strided_slice %convert_element_type3A_9 {offsets = [512, 0], sizes = [128, 64], strides = [1, 1]} : vector<2048x64xf32> to vector<128x64xf32>
    %dot_general3A_89 = arith.constant dense<0.000000e+00> : vector<128x64xf32>
    %dot_general3A_90 = tpu.matmul %convert_element_type3A_37, %slice3A_88, %dot_general3A_89 {dimension_numbers = #tpu.dot_dimension_numbers<[1], [0], [0], [1], [0, 0, 1, 1], [], []>, transpose_lhs_hint = false} : vector<128x128xf32>, vector<128x64xf32>, vector<128x64xf32> -> vector<128x64xf32>
    %add3A_91 = vector.broadcast %add3A_87 : vector<1x64xf32> to vector<128x64xf32>
    %add3A_92 = arith.addf %dot_general3A_90, %add3A_91 : vector<128x64xf32>
    %mul3A_93 = arith.mulf %add3A_92, %slice3A_88 : vector<128x64xf32>
    %reduce_sum3A_94 = arith.constant dense<0.000000e+00> : vector<128xf32>
    %reduce_sum3A_95 = vector.multi_reduction <add>, %mul3A_93, %reduce_sum3A_94 [1] : vector<128x64xf32> to vector<128xf32>
    %broadcast_in_dim3A_96 = vector.shape_cast %reduce_sum3A_95 : vector<128xf32> to vector<128x1xf32>
    %reduce_sum3A_97 = arith.constant dense<0.000000e+00> : vector<64xf32>
    %reduce_sum3A_98 = vector.multi_reduction <add>, %slice3A_88, %reduce_sum3A_97 [0] : vector<128x64xf32> to vector<64xf32>
    %broadcast_in_dim3A_99 = vector.shape_cast %reduce_sum3A_98 : vector<64xf32> to vector<1x64xf32>
    %add3A_100 = arith.addf %add3A_87, %broadcast_in_dim3A_99 : vector<1x64xf32>
    %slice3A_101 = vector.extract_strided_slice %convert_element_type3A_9 {offsets = [640, 0], sizes = [128, 64], strides = [1, 1]} : vector<2048x64xf32> to vector<128x64xf32>
    %dot_general3A_102 = arith.constant dense<0.000000e+00> : vector<128x64xf32>
    %dot_general3A_103 = tpu.matmul %convert_element_type3A_37, %slice3A_101, %dot_general3A_102 {dimension_numbers = #tpu.dot_dimension_numbers<[1], [0], [0], [1], [0, 0, 1, 1], [], []>, transpose_lhs_hint = false} : vector<128x128xf32>, vector<128x64xf32>, vector<128x64xf32> -> vector<128x64xf32>
    %add3A_104 = vector.broadcast %add3A_100 : vector<1x64xf32> to vector<128x64xf32>
    %add3A_105 = arith.addf %dot_general3A_103, %add3A_104 : vector<128x64xf32>
    %mul3A_106 = arith.mulf %add3A_105, %slice3A_101 : vector<128x64xf32>
    %reduce_sum3A_107 = arith.constant dense<0.000000e+00> : vector<128xf32>
    %reduce_sum3A_108 = vector.multi_reduction <add>, %mul3A_106, %reduce_sum3A_107 [1] : vector<128x64xf32> to vector<128xf32>
    %broadcast_in_dim3A_109 = vector.shape_cast %reduce_sum3A_108 : vector<128xf32> to vector<128x1xf32>
    %reduce_sum3A_110 = arith.constant dense<0.000000e+00> : vector<64xf32>
    %reduce_sum3A_111 = vector.multi_reduction <add>, %slice3A_101, %reduce_sum3A_110 [0] : vector<128x64xf32> to vector<64xf32>
    %broadcast_in_dim3A_112 = vector.shape_cast %reduce_sum3A_111 : vector<64xf32> to vector<1x64xf32>
    %add3A_113 = arith.addf %add3A_100, %broadcast_in_dim3A_112 : vector<1x64xf32>
    %slice3A_114 = vector.extract_strided_slice %convert_element_type3A_9 {offsets = [768, 0], sizes = [128, 64], strides = [1, 1]} : vector<2048x64xf32> to vector<128x64xf32>
    %dot_general3A_115 = arith.constant dense<0.000000e+00> : vector<128x64xf32>
    %dot_general3A_116 = tpu.matmul %convert_element_type3A_37, %slice3A_114, %dot_general3A_115 {dimension_numbers = #tpu.dot_dimension_numbers<[1], [0], [0], [1], [0, 0, 1, 1], [], []>, transpose_lhs_hint = false} : vector<128x128xf32>, vector<128x64xf32>, vector<128x64xf32> -> vector<128x64xf32>
    %add3A_117 = vector.broadcast %add3A_113 : vector<1x64xf32> to vector<128x64xf32>
    %add3A_118 = arith.addf %dot_general3A_116, %add3A_117 : vector<128x64xf32>
    %mul3A_119 = arith.mulf %add3A_118, %slice3A_114 : vector<128x64xf32>
    %reduce_sum3A_120 = arith.constant dense<0.000000e+00> : vector<128xf32>
    %reduce_sum3A_121 = vector.multi_reduction <add>, %mul3A_119, %reduce_sum3A_120 [1] : vector<128x64xf32> to vector<128xf32>
    %broadcast_in_dim3A_122 = vector.shape_cast %reduce_sum3A_121 : vector<128xf32> to vector<128x1xf32>
    %reduce_sum3A_123 = arith.constant dense<0.000000e+00> : vector<64xf32>
    %reduce_sum3A_124 = vector.multi_reduction <add>, %slice3A_114, %reduce_sum3A_123 [0] : vector<128x64xf32> to vector<64xf32>
    %broadcast_in_dim3A_125 = vector.shape_cast %reduce_sum3A_124 : vector<64xf32> to vector<1x64xf32>
    %add3A_126 = arith.addf %add3A_113, %broadcast_in_dim3A_125 : vector<1x64xf32>
    %slice3A_127 = vector.extract_strided_slice %convert_element_type3A_9 {offsets = [896, 0], sizes = [128, 64], strides = [1, 1]} : vector<2048x64xf32> to vector<128x64xf32>
    %dot_general3A_128 = arith.constant dense<0.000000e+00> : vector<128x64xf32>
    %dot_general3A_129 = tpu.matmul %convert_element_type3A_37, %slice3A_127, %dot_general3A_128 {dimension_numbers = #tpu.dot_dimension_numbers<[1], [0], [0], [1], [0, 0, 1, 1], [], []>, transpose_lhs_hint = false} : vector<128x128xf32>, vector<128x64xf32>, vector<128x64xf32> -> vector<128x64xf32>
    %add3A_130 = vector.broadcast %add3A_126 : vector<1x64xf32> to vector<128x64xf32>
    %add3A_131 = arith.addf %dot_general3A_129, %add3A_130 : vector<128x64xf32>
    %mul3A_132 = arith.mulf %add3A_131, %slice3A_127 : vector<128x64xf32>
    %reduce_sum3A_133 = arith.constant dense<0.000000e+00> : vector<128xf32>
    %reduce_sum3A_134 = vector.multi_reduction <add>, %mul3A_132, %reduce_sum3A_133 [1] : vector<128x64xf32> to vector<128xf32>
    %broadcast_in_dim3A_135 = vector.shape_cast %reduce_sum3A_134 : vector<128xf32> to vector<128x1xf32>
    %reduce_sum3A_136 = arith.constant dense<0.000000e+00> : vector<64xf32>
    %reduce_sum3A_137 = vector.multi_reduction <add>, %slice3A_127, %reduce_sum3A_136 [0] : vector<128x64xf32> to vector<64xf32>
    %broadcast_in_dim3A_138 = vector.shape_cast %reduce_sum3A_137 : vector<64xf32> to vector<1x64xf32>
    %add3A_139 = arith.addf %add3A_126, %broadcast_in_dim3A_138 : vector<1x64xf32>
    %slice3A_140 = vector.extract_strided_slice %convert_element_type3A_9 {offsets = [1024, 0], sizes = [128, 64], strides = [1, 1]} : vector<2048x64xf32> to vector<128x64xf32>
    %dot_general3A_141 = arith.constant dense<0.000000e+00> : vector<128x64xf32>
    %dot_general3A_142 = tpu.matmul %convert_element_type3A_37, %slice3A_140, %dot_general3A_141 {dimension_numbers = #tpu.dot_dimension_numbers<[1], [0], [0], [1], [0, 0, 1, 1], [], []>, transpose_lhs_hint = false} : vector<128x128xf32>, vector<128x64xf32>, vector<128x64xf32> -> vector<128x64xf32>
    %add3A_143 = vector.broadcast %add3A_139 : vector<1x64xf32> to vector<128x64xf32>
    %add3A_144 = arith.addf %dot_general3A_142, %add3A_143 : vector<128x64xf32>
    %mul3A_145 = arith.mulf %add3A_144, %slice3A_140 : vector<128x64xf32>
    %reduce_sum3A_146 = arith.constant dense<0.000000e+00> : vector<128xf32>
    %reduce_sum3A_147 = vector.multi_reduction <add>, %mul3A_145, %reduce_sum3A_146 [1] : vector<128x64xf32> to vector<128xf32>
    %broadcast_in_dim3A_148 = vector.shape_cast %reduce_sum3A_147 : vector<128xf32> to vector<128x1xf32>
    %reduce_sum3A_149 = arith.constant dense<0.000000e+00> : vector<64xf32>
    %reduce_sum3A_150 = vector.multi_reduction <add>, %slice3A_140, %reduce_sum3A_149 [0] : vector<128x64xf32> to vector<64xf32>
    %broadcast_in_dim3A_151 = vector.shape_cast %reduce_sum3A_150 : vector<64xf32> to vector<1x64xf32>
    %add3A_152 = arith.addf %add3A_139, %broadcast_in_dim3A_151 : vector<1x64xf32>
    %slice3A_153 = vector.extract_strided_slice %convert_element_type3A_9 {offsets = [1152, 0], sizes = [128, 64], strides = [1, 1]} : vector<2048x64xf32> to vector<128x64xf32>
    %dot_general3A_154 = arith.constant dense<0.000000e+00> : vector<128x64xf32>
    %dot_general3A_155 = tpu.matmul %convert_element_type3A_37, %slice3A_153, %dot_general3A_154 {dimension_numbers = #tpu.dot_dimension_numbers<[1], [0], [0], [1], [0, 0, 1, 1], [], []>, transpose_lhs_hint = false} : vector<128x128xf32>, vector<128x64xf32>, vector<128x64xf32> -> vector<128x64xf32>
    %add3A_156 = vector.broadcast %add3A_152 : vector<1x64xf32> to vector<128x64xf32>
    %add3A_157 = arith.addf %dot_general3A_155, %add3A_156 : vector<128x64xf32>
    %mul3A_158 = arith.mulf %add3A_157, %slice3A_153 : vector<128x64xf32>
    %reduce_sum3A_159 = arith.constant dense<0.000000e+00> : vector<128xf32>
    %reduce_sum3A_160 = vector.multi_reduction <add>, %mul3A_158, %reduce_sum3A_159 [1] : vector<128x64xf32> to vector<128xf32>
    %broadcast_in_dim3A_161 = vector.shape_cast %reduce_sum3A_160 : vector<128xf32> to vector<128x1xf32>
    %reduce_sum3A_162 = arith.constant dense<0.000000e+00> : vector<64xf32>
    %reduce_sum3A_163 = vector.multi_reduction <add>, %slice3A_153, %reduce_sum3A_162 [0] : vector<128x64xf32> to vector<64xf32>
    %broadcast_in_dim3A_164 = vector.shape_cast %reduce_sum3A_163 : vector<64xf32> to vector<1x64xf32>
    %add3A_165 = arith.addf %add3A_152, %broadcast_in_dim3A_164 : vector<1x64xf32>
    %slice3A_166 = vector.extract_strided_slice %convert_element_type3A_9 {offsets = [1280, 0], sizes = [128, 64], strides = [1, 1]} : vector<2048x64xf32> to vector<128x64xf32>
    %dot_general3A_167 = arith.constant dense<0.000000e+00> : vector<128x64xf32>
    %dot_general3A_168 = tpu.matmul %convert_element_type3A_37, %slice3A_166, %dot_general3A_167 {dimension_numbers = #tpu.dot_dimension_numbers<[1], [0], [0], [1], [0, 0, 1, 1], [], []>, transpose_lhs_hint = false} : vector<128x128xf32>, vector<128x64xf32>, vector<128x64xf32> -> vector<128x64xf32>
    %add3A_169 = vector.broadcast %add3A_165 : vector<1x64xf32> to vector<128x64xf32>
    %add3A_170 = arith.addf %dot_general3A_168, %add3A_169 : vector<128x64xf32>
    %mul3A_171 = arith.mulf %add3A_170, %slice3A_166 : vector<128x64xf32>
    %reduce_sum3A_172 = arith.constant dense<0.000000e+00> : vector<128xf32>
    %reduce_sum3A_173 = vector.multi_reduction <add>, %mul3A_171, %reduce_sum3A_172 [1] : vector<128x64xf32> to vector<128xf32>
    %broadcast_in_dim3A_174 = vector.shape_cast %reduce_sum3A_173 : vector<128xf32> to vector<128x1xf32>
    %reduce_sum3A_175 = arith.constant dense<0.000000e+00> : vector<64xf32>
    %reduce_sum3A_176 = vector.multi_reduction <add>, %slice3A_166, %reduce_sum3A_175 [0] : vector<128x64xf32> to vector<64xf32>
    %broadcast_in_dim3A_177 = vector.shape_cast %reduce_sum3A_176 : vector<64xf32> to vector<1x64xf32>
    %add3A_178 = arith.addf %add3A_165, %broadcast_in_dim3A_177 : vector<1x64xf32>
    %slice3A_179 = vector.extract_strided_slice %convert_element_type3A_9 {offsets = [1408, 0], sizes = [128, 64], strides = [1, 1]} : vector<2048x64xf32> to vector<128x64xf32>
    %dot_general3A_180 = arith.constant dense<0.000000e+00> : vector<128x64xf32>
    %dot_general3A_181 = tpu.matmul %convert_element_type3A_37, %slice3A_179, %dot_general3A_180 {dimension_numbers = #tpu.dot_dimension_numbers<[1], [0], [0], [1], [0, 0, 1, 1], [], []>, transpose_lhs_hint = false} : vector<128x128xf32>, vector<128x64xf32>, vector<128x64xf32> -> vector<128x64xf32>
    %add3A_182 = vector.broadcast %add3A_178 : vector<1x64xf32> to vector<128x64xf32>
    %add3A_183 = arith.addf %dot_general3A_181, %add3A_182 : vector<128x64xf32>
    %mul3A_184 = arith.mulf %add3A_183, %slice3A_179 : vector<128x64xf32>
    %reduce_sum3A_185 = arith.constant dense<0.000000e+00> : vector<128xf32>
    %reduce_sum3A_186 = vector.multi_reduction <add>, %mul3A_184, %reduce_sum3A_185 [1] : vector<128x64xf32> to vector<128xf32>
    %broadcast_in_dim3A_187 = vector.shape_cast %reduce_sum3A_186 : vector<128xf32> to vector<128x1xf32>
    %reduce_sum3A_188 = arith.constant dense<0.000000e+00> : vector<64xf32>
    %reduce_sum3A_189 = vector.multi_reduction <add>, %slice3A_179, %reduce_sum3A_188 [0] : vector<128x64xf32> to vector<64xf32>
    %broadcast_in_dim3A_190 = vector.shape_cast %reduce_sum3A_189 : vector<64xf32> to vector<1x64xf32>
    %add3A_191 = arith.addf %add3A_178, %broadcast_in_dim3A_190 : vector<1x64xf32>
    %slice3A_192 = vector.extract_strided_slice %convert_element_type3A_9 {offsets = [1536, 0], sizes = [128, 64], strides = [1, 1]} : vector<2048x64xf32> to vector<128x64xf32>
    %dot_general3A_193 = arith.constant dense<0.000000e+00> : vector<128x64xf32>
    %dot_general3A_194 = tpu.matmul %convert_element_type3A_37, %slice3A_192, %dot_general3A_193 {dimension_numbers = #tpu.dot_dimension_numbers<[1], [0], [0], [1], [0, 0, 1, 1], [], []>, transpose_lhs_hint = false} : vector<128x128xf32>, vector<128x64xf32>, vector<128x64xf32> -> vector<128x64xf32>
    %add3A_195 = vector.broadcast %add3A_191 : vector<1x64xf32> to vector<128x64xf32>
    %add3A_196 = arith.addf %dot_general3A_194, %add3A_195 : vector<128x64xf32>
    %mul3A_197 = arith.mulf %add3A_196, %slice3A_192 : vector<128x64xf32>
    %reduce_sum3A_198 = arith.constant dense<0.000000e+00> : vector<128xf32>
    %reduce_sum3A_199 = vector.multi_reduction <add>, %mul3A_197, %reduce_sum3A_198 [1] : vector<128x64xf32> to vector<128xf32>
    %broadcast_in_dim3A_200 = vector.shape_cast %reduce_sum3A_199 : vector<128xf32> to vector<128x1xf32>
    %reduce_sum3A_201 = arith.constant dense<0.000000e+00> : vector<64xf32>
    %reduce_sum3A_202 = vector.multi_reduction <add>, %slice3A_192, %reduce_sum3A_201 [0] : vector<128x64xf32> to vector<64xf32>
    %broadcast_in_dim3A_203 = vector.shape_cast %reduce_sum3A_202 : vector<64xf32> to vector<1x64xf32>
    %add3A_204 = arith.addf %add3A_191, %broadcast_in_dim3A_203 : vector<1x64xf32>
    %slice3A_205 = vector.extract_strided_slice %convert_element_type3A_9 {offsets = [1664, 0], sizes = [128, 64], strides = [1, 1]} : vector<2048x64xf32> to vector<128x64xf32>
    %dot_general3A_206 = arith.constant dense<0.000000e+00> : vector<128x64xf32>
    %dot_general3A_207 = tpu.matmul %convert_element_type3A_37, %slice3A_205, %dot_general3A_206 {dimension_numbers = #tpu.dot_dimension_numbers<[1], [0], [0], [1], [0, 0, 1, 1], [], []>, transpose_lhs_hint = false} : vector<128x128xf32>, vector<128x64xf32>, vector<128x64xf32> -> vector<128x64xf32>
    %add3A_208 = vector.broadcast %add3A_204 : vector<1x64xf32> to vector<128x64xf32>
    %add3A_209 = arith.addf %dot_general3A_207, %add3A_208 : vector<128x64xf32>
    %mul3A_210 = arith.mulf %add3A_209, %slice3A_205 : vector<128x64xf32>
    %reduce_sum3A_211 = arith.constant dense<0.000000e+00> : vector<128xf32>
    %reduce_sum3A_212 = vector.multi_reduction <add>, %mul3A_210, %reduce_sum3A_211 [1] : vector<128x64xf32> to vector<128xf32>
    %broadcast_in_dim3A_213 = vector.shape_cast %reduce_sum3A_212 : vector<128xf32> to vector<128x1xf32>
    %reduce_sum3A_214 = arith.constant dense<0.000000e+00> : vector<64xf32>
    %reduce_sum3A_215 = vector.multi_reduction <add>, %slice3A_205, %reduce_sum3A_214 [0] : vector<128x64xf32> to vector<64xf32>
    %broadcast_in_dim3A_216 = vector.shape_cast %reduce_sum3A_215 : vector<64xf32> to vector<1x64xf32>
    %add3A_217 = arith.addf %add3A_204, %broadcast_in_dim3A_216 : vector<1x64xf32>
    %slice3A_218 = vector.extract_strided_slice %convert_element_type3A_9 {offsets = [1792, 0], sizes = [128, 64], strides = [1, 1]} : vector<2048x64xf32> to vector<128x64xf32>
    %dot_general3A_219 = arith.constant dense<0.000000e+00> : vector<128x64xf32>
    %dot_general3A_220 = tpu.matmul %convert_element_type3A_37, %slice3A_218, %dot_general3A_219 {dimension_numbers = #tpu.dot_dimension_numbers<[1], [0], [0], [1], [0, 0, 1, 1], [], []>, transpose_lhs_hint = false} : vector<128x128xf32>, vector<128x64xf32>, vector<128x64xf32> -> vector<128x64xf32>
    %add3A_221 = vector.broadcast %add3A_217 : vector<1x64xf32> to vector<128x64xf32>
    %add3A_222 = arith.addf %dot_general3A_220, %add3A_221 : vector<128x64xf32>
    %mul3A_223 = arith.mulf %add3A_222, %slice3A_218 : vector<128x64xf32>
    %reduce_sum3A_224 = arith.constant dense<0.000000e+00> : vector<128xf32>
    %reduce_sum3A_225 = vector.multi_reduction <add>, %mul3A_223, %reduce_sum3A_224 [1] : vector<128x64xf32> to vector<128xf32>
    %broadcast_in_dim3A_226 = vector.shape_cast %reduce_sum3A_225 : vector<128xf32> to vector<128x1xf32>
    %reduce_sum3A_227 = arith.constant dense<0.000000e+00> : vector<64xf32>
    %reduce_sum3A_228 = vector.multi_reduction <add>, %slice3A_218, %reduce_sum3A_227 [0] : vector<128x64xf32> to vector<64xf32>
    %broadcast_in_dim3A_229 = vector.shape_cast %reduce_sum3A_228 : vector<64xf32> to vector<1x64xf32>
    %add3A_230 = arith.addf %add3A_217, %broadcast_in_dim3A_229 : vector<1x64xf32>
    %slice3A_231 = vector.extract_strided_slice %convert_element_type3A_9 {offsets = [1920, 0], sizes = [128, 64], strides = [1, 1]} : vector<2048x64xf32> to vector<128x64xf32>
    %dot_general3A_232 = arith.constant dense<0.000000e+00> : vector<128x64xf32>
    %dot_general3A_233 = tpu.matmul %convert_element_type3A_37, %slice3A_231, %dot_general3A_232 {dimension_numbers = #tpu.dot_dimension_numbers<[1], [0], [0], [1], [0, 0, 1, 1], [], []>, transpose_lhs_hint = false} : vector<128x128xf32>, vector<128x64xf32>, vector<128x64xf32> -> vector<128x64xf32>
    %add3A_234 = vector.broadcast %add3A_230 : vector<1x64xf32> to vector<128x64xf32>
    %add3A_235 = arith.addf %dot_general3A_233, %add3A_234 : vector<128x64xf32>
    %mul3A_236 = arith.mulf %add3A_235, %slice3A_231 : vector<128x64xf32>
    %reduce_sum3A_237 = arith.constant dense<0.000000e+00> : vector<128xf32>
    %reduce_sum3A_238 = vector.multi_reduction <add>, %mul3A_236, %reduce_sum3A_237 [1] : vector<128x64xf32> to vector<128xf32>
    %broadcast_in_dim3A_239 = vector.shape_cast %reduce_sum3A_238 : vector<128xf32> to vector<128x1xf32>
    %reduce_sum3A_240 = arith.constant dense<0.000000e+00> : vector<64xf32>
    %reduce_sum3A_241 = vector.multi_reduction <add>, %slice3A_231, %reduce_sum3A_240 [0] : vector<128x64xf32> to vector<64xf32>
    %broadcast_in_dim3A_242 = vector.shape_cast %reduce_sum3A_241 : vector<64xf32> to vector<1x64xf32>
    %add3A_243 = arith.addf %add3A_230, %broadcast_in_dim3A_242 : vector<1x64xf32>
    %slice3A_244 = vector.extract_strided_slice %convert_element_type3A_27 {offsets = [0, 0], sizes = [128, 64], strides = [1, 1]} : vector<2048x64xf32> to vector<128x64xf32>
    %dot_general3A_245 = arith.constant dense<0.000000e+00> : vector<128x64xf32>
    %dot_general3A_246 = tpu.matmul %convert_element_type3A_37, %slice3A_244, %dot_general3A_245 {dimension_numbers = #tpu.dot_dimension_numbers<[1], [0], [0], [1], [0, 0, 1, 1], [], []>, transpose_lhs_hint = false} : vector<128x128xf32>, vector<128x64xf32>, vector<128x64xf32> -> vector<128x64xf32>
    %add3A_247 = vector.broadcast %add3A_243 : vector<1x64xf32> to vector<128x64xf32>
    %add3A_248 = arith.addf %dot_general3A_246, %add3A_247 : vector<128x64xf32>
    %mul3A_249 = arith.mulf %add3A_248, %slice3A_244 : vector<128x64xf32>
    %reduce_sum3A_250 = arith.constant dense<0.000000e+00> : vector<128xf32>
    %reduce_sum3A_251 = vector.multi_reduction <add>, %mul3A_249, %reduce_sum3A_250 [1] : vector<128x64xf32> to vector<128xf32>
    %broadcast_in_dim3A_252 = vector.shape_cast %reduce_sum3A_251 : vector<128xf32> to vector<128x1xf32>
    %reduce_sum3A_253 = arith.constant dense<0.000000e+00> : vector<64xf32>
    %reduce_sum3A_254 = vector.multi_reduction <add>, %slice3A_244, %reduce_sum3A_253 [0] : vector<128x64xf32> to vector<64xf32>
    %broadcast_in_dim3A_255 = vector.shape_cast %reduce_sum3A_254 : vector<64xf32> to vector<1x64xf32>
    %add3A_256 = arith.addf %add3A_243, %broadcast_in_dim3A_255 : vector<1x64xf32>
    %slice3A_257 = vector.extract_strided_slice %convert_element_type3A_27 {offsets = [128, 0], sizes = [128, 64], strides = [1, 1]} : vector<2048x64xf32> to vector<128x64xf32>
    %dot_general3A_258 = arith.constant dense<0.000000e+00> : vector<128x64xf32>
    %dot_general3A_259 = tpu.matmul %convert_element_type3A_37, %slice3A_257, %dot_general3A_258 {dimension_numbers = #tpu.dot_dimension_numbers<[1], [0], [0], [1], [0, 0, 1, 1], [], []>, transpose_lhs_hint = false} : vector<128x128xf32>, vector<128x64xf32>, vector<128x64xf32> -> vector<128x64xf32>
    %add3A_260 = vector.broadcast %add3A_256 : vector<1x64xf32> to vector<128x64xf32>
    %add3A_261 = arith.addf %dot_general3A_259, %add3A_260 : vector<128x64xf32>
    %mul3A_262 = arith.mulf %add3A_261, %slice3A_257 : vector<128x64xf32>
    %reduce_sum3A_263 = arith.constant dense<0.000000e+00> : vector<128xf32>
    %reduce_sum3A_264 = vector.multi_reduction <add>, %mul3A_262, %reduce_sum3A_263 [1] : vector<128x64xf32> to vector<128xf32>
    %broadcast_in_dim3A_265 = vector.shape_cast %reduce_sum3A_264 : vector<128xf32> to vector<128x1xf32>
    %reduce_sum3A_266 = arith.constant dense<0.000000e+00> : vector<64xf32>
    %reduce_sum3A_267 = vector.multi_reduction <add>, %slice3A_257, %reduce_sum3A_266 [0] : vector<128x64xf32> to vector<64xf32>
    %broadcast_in_dim3A_268 = vector.shape_cast %reduce_sum3A_267 : vector<64xf32> to vector<1x64xf32>
    %add3A_269 = arith.addf %add3A_256, %broadcast_in_dim3A_268 : vector<1x64xf32>
    %slice3A_270 = vector.extract_strided_slice %convert_element_type3A_27 {offsets = [256, 0], sizes = [128, 64], strides = [1, 1]} : vector<2048x64xf32> to vector<128x64xf32>
    %dot_general3A_271 = arith.constant dense<0.000000e+00> : vector<128x64xf32>
    %dot_general3A_272 = tpu.matmul %convert_element_type3A_37, %slice3A_270, %dot_general3A_271 {dimension_numbers = #tpu.dot_dimension_numbers<[1], [0], [0], [1], [0, 0, 1, 1], [], []>, transpose_lhs_hint = false} : vector<128x128xf32>, vector<128x64xf32>, vector<128x64xf32> -> vector<128x64xf32>
    %add3A_273 = vector.broadcast %add3A_269 : vector<1x64xf32> to vector<128x64xf32>
    %add3A_274 = arith.addf %dot_general3A_272, %add3A_273 : vector<128x64xf32>
    %mul3A_275 = arith.mulf %add3A_274, %slice3A_270 : vector<128x64xf32>
    %reduce_sum3A_276 = arith.constant dense<0.000000e+00> : vector<128xf32>
    %reduce_sum3A_277 = vector.multi_reduction <add>, %mul3A_275, %reduce_sum3A_276 [1] : vector<128x64xf32> to vector<128xf32>
    %broadcast_in_dim3A_278 = vector.shape_cast %reduce_sum3A_277 : vector<128xf32> to vector<128x1xf32>
    %reduce_sum3A_279 = arith.constant dense<0.000000e+00> : vector<64xf32>
    %reduce_sum3A_280 = vector.multi_reduction <add>, %slice3A_270, %reduce_sum3A_279 [0] : vector<128x64xf32> to vector<64xf32>
    %broadcast_in_dim3A_281 = vector.shape_cast %reduce_sum3A_280 : vector<64xf32> to vector<1x64xf32>
    %add3A_282 = arith.addf %add3A_269, %broadcast_in_dim3A_281 : vector<1x64xf32>
    %slice3A_283 = vector.extract_strided_slice %convert_element_type3A_27 {offsets = [384, 0], sizes = [128, 64], strides = [1, 1]} : vector<2048x64xf32> to vector<128x64xf32>
    %dot_general3A_284 = arith.constant dense<0.000000e+00> : vector<128x64xf32>
    %dot_general3A_285 = tpu.matmul %convert_element_type3A_37, %slice3A_283, %dot_general3A_284 {dimension_numbers = #tpu.dot_dimension_numbers<[1], [0], [0], [1], [0, 0, 1, 1], [], []>, transpose_lhs_hint = false} : vector<128x128xf32>, vector<128x64xf32>, vector<128x64xf32> -> vector<128x64xf32>
    %add3A_286 = vector.broadcast %add3A_282 : vector<1x64xf32> to vector<128x64xf32>
    %add3A_287 = arith.addf %dot_general3A_285, %add3A_286 : vector<128x64xf32>
    %mul3A_288 = arith.mulf %add3A_287, %slice3A_283 : vector<128x64xf32>
    %reduce_sum3A_289 = arith.constant dense<0.000000e+00> : vector<128xf32>
    %reduce_sum3A_290 = vector.multi_reduction <add>, %mul3A_288, %reduce_sum3A_289 [1] : vector<128x64xf32> to vector<128xf32>
    %broadcast_in_dim3A_291 = vector.shape_cast %reduce_sum3A_290 : vector<128xf32> to vector<128x1xf32>
    %reduce_sum3A_292 = arith.constant dense<0.000000e+00> : vector<64xf32>
    %reduce_sum3A_293 = vector.multi_reduction <add>, %slice3A_283, %reduce_sum3A_292 [0] : vector<128x64xf32> to vector<64xf32>
    %broadcast_in_dim3A_294 = vector.shape_cast %reduce_sum3A_293 : vector<64xf32> to vector<1x64xf32>
    %add3A_295 = arith.addf %add3A_282, %broadcast_in_dim3A_294 : vector<1x64xf32>
    %slice3A_296 = vector.extract_strided_slice %convert_element_type3A_27 {offsets = [512, 0], sizes = [128, 64], strides = [1, 1]} : vector<2048x64xf32> to vector<128x64xf32>
    %dot_general3A_297 = arith.constant dense<0.000000e+00> : vector<128x64xf32>
    %dot_general3A_298 = tpu.matmul %convert_element_type3A_37, %slice3A_296, %dot_general3A_297 {dimension_numbers = #tpu.dot_dimension_numbers<[1], [0], [0], [1], [0, 0, 1, 1], [], []>, transpose_lhs_hint = false} : vector<128x128xf32>, vector<128x64xf32>, vector<128x64xf32> -> vector<128x64xf32>
    %add3A_299 = vector.broadcast %add3A_295 : vector<1x64xf32> to vector<128x64xf32>
    %add3A_300 = arith.addf %dot_general3A_298, %add3A_299 : vector<128x64xf32>
    %mul3A_301 = arith.mulf %add3A_300, %slice3A_296 : vector<128x64xf32>
    %reduce_sum3A_302 = arith.constant dense<0.000000e+00> : vector<128xf32>
    %reduce_sum3A_303 = vector.multi_reduction <add>, %mul3A_301, %reduce_sum3A_302 [1] : vector<128x64xf32> to vector<128xf32>
    %broadcast_in_dim3A_304 = vector.shape_cast %reduce_sum3A_303 : vector<128xf32> to vector<128x1xf32>
    %reduce_sum3A_305 = arith.constant dense<0.000000e+00> : vector<64xf32>
    %reduce_sum3A_306 = vector.multi_reduction <add>, %slice3A_296, %reduce_sum3A_305 [0] : vector<128x64xf32> to vector<64xf32>
    %broadcast_in_dim3A_307 = vector.shape_cast %reduce_sum3A_306 : vector<64xf32> to vector<1x64xf32>
    %add3A_308 = arith.addf %add3A_295, %broadcast_in_dim3A_307 : vector<1x64xf32>
    %slice3A_309 = vector.extract_strided_slice %convert_element_type3A_27 {offsets = [640, 0], sizes = [128, 64], strides = [1, 1]} : vector<2048x64xf32> to vector<128x64xf32>
    %dot_general3A_310 = arith.constant dense<0.000000e+00> : vector<128x64xf32>
    %dot_general3A_311 = tpu.matmul %convert_element_type3A_37, %slice3A_309, %dot_general3A_310 {dimension_numbers = #tpu.dot_dimension_numbers<[1], [0], [0], [1], [0, 0, 1, 1], [], []>, transpose_lhs_hint = false} : vector<128x128xf32>, vector<128x64xf32>, vector<128x64xf32> -> vector<128x64xf32>
    %add3A_312 = vector.broadcast %add3A_308 : vector<1x64xf32> to vector<128x64xf32>
    %add3A_313 = arith.addf %dot_general3A_311, %add3A_312 : vector<128x64xf32>
    %mul3A_314 = arith.mulf %add3A_313, %slice3A_309 : vector<128x64xf32>
    %reduce_sum3A_315 = arith.constant dense<0.000000e+00> : vector<128xf32>
    %reduce_sum3A_316 = vector.multi_reduction <add>, %mul3A_314, %reduce_sum3A_315 [1] : vector<128x64xf32> to vector<128xf32>
    %broadcast_in_dim3A_317 = vector.shape_cast %reduce_sum3A_316 : vector<128xf32> to vector<128x1xf32>
    %reduce_sum3A_318 = arith.constant dense<0.000000e+00> : vector<64xf32>
    %reduce_sum3A_319 = vector.multi_reduction <add>, %slice3A_309, %reduce_sum3A_318 [0] : vector<128x64xf32> to vector<64xf32>
    %broadcast_in_dim3A_320 = vector.shape_cast %reduce_sum3A_319 : vector<64xf32> to vector<1x64xf32>
    %add3A_321 = arith.addf %add3A_308, %broadcast_in_dim3A_320 : vector<1x64xf32>
    %slice3A_322 = vector.extract_strided_slice %convert_element_type3A_27 {offsets = [768, 0], sizes = [128, 64], strides = [1, 1]} : vector<2048x64xf32> to vector<128x64xf32>
    %dot_general3A_323 = arith.constant dense<0.000000e+00> : vector<128x64xf32>
    %dot_general3A_324 = tpu.matmul %convert_element_type3A_37, %slice3A_322, %dot_general3A_323 {dimension_numbers = #tpu.dot_dimension_numbers<[1], [0], [0], [1], [0, 0, 1, 1], [], []>, transpose_lhs_hint = false} : vector<128x128xf32>, vector<128x64xf32>, vector<128x64xf32> -> vector<128x64xf32>
    %add3A_325 = vector.broadcast %add3A_321 : vector<1x64xf32> to vector<128x64xf32>
    %add3A_326 = arith.addf %dot_general3A_324, %add3A_325 : vector<128x64xf32>
    %mul3A_327 = arith.mulf %add3A_326, %slice3A_322 : vector<128x64xf32>
    %reduce_sum3A_328 = arith.constant dense<0.000000e+00> : vector<128xf32>
    %reduce_sum3A_329 = vector.multi_reduction <add>, %mul3A_327, %reduce_sum3A_328 [1] : vector<128x64xf32> to vector<128xf32>
    %broadcast_in_dim3A_330 = vector.shape_cast %reduce_sum3A_329 : vector<128xf32> to vector<128x1xf32>
    %reduce_sum3A_331 = arith.constant dense<0.000000e+00> : vector<64xf32>
    %reduce_sum3A_332 = vector.multi_reduction <add>, %slice3A_322, %reduce_sum3A_331 [0] : vector<128x64xf32> to vector<64xf32>
    %broadcast_in_dim3A_333 = vector.shape_cast %reduce_sum3A_332 : vector<64xf32> to vector<1x64xf32>
    %add3A_334 = arith.addf %add3A_321, %broadcast_in_dim3A_333 : vector<1x64xf32>
    %slice3A_335 = vector.extract_strided_slice %convert_element_type3A_27 {offsets = [896, 0], sizes = [128, 64], strides = [1, 1]} : vector<2048x64xf32> to vector<128x64xf32>
    %dot_general3A_336 = arith.constant dense<0.000000e+00> : vector<128x64xf32>
    %dot_general3A_337 = tpu.matmul %convert_element_type3A_37, %slice3A_335, %dot_general3A_336 {dimension_numbers = #tpu.dot_dimension_numbers<[1], [0], [0], [1], [0, 0, 1, 1], [], []>, transpose_lhs_hint = false} : vector<128x128xf32>, vector<128x64xf32>, vector<128x64xf32> -> vector<128x64xf32>
    %add3A_338 = vector.broadcast %add3A_334 : vector<1x64xf32> to vector<128x64xf32>
    %add3A_339 = arith.addf %dot_general3A_337, %add3A_338 : vector<128x64xf32>
    %mul3A_340 = arith.mulf %add3A_339, %slice3A_335 : vector<128x64xf32>
    %reduce_sum3A_341 = arith.constant dense<0.000000e+00> : vector<128xf32>
    %reduce_sum3A_342 = vector.multi_reduction <add>, %mul3A_340, %reduce_sum3A_341 [1] : vector<128x64xf32> to vector<128xf32>
    %broadcast_in_dim3A_343 = vector.shape_cast %reduce_sum3A_342 : vector<128xf32> to vector<128x1xf32>
    %reduce_sum3A_344 = arith.constant dense<0.000000e+00> : vector<64xf32>
    %reduce_sum3A_345 = vector.multi_reduction <add>, %slice3A_335, %reduce_sum3A_344 [0] : vector<128x64xf32> to vector<64xf32>
    %broadcast_in_dim3A_346 = vector.shape_cast %reduce_sum3A_345 : vector<64xf32> to vector<1x64xf32>
    %add3A_347 = arith.addf %add3A_334, %broadcast_in_dim3A_346 : vector<1x64xf32>
    %slice3A_348 = vector.extract_strided_slice %convert_element_type3A_27 {offsets = [1024, 0], sizes = [128, 64], strides = [1, 1]} : vector<2048x64xf32> to vector<128x64xf32>
    %dot_general3A_349 = arith.constant dense<0.000000e+00> : vector<128x64xf32>
    %dot_general3A_350 = tpu.matmul %convert_element_type3A_37, %slice3A_348, %dot_general3A_349 {dimension_numbers = #tpu.dot_dimension_numbers<[1], [0], [0], [1], [0, 0, 1, 1], [], []>, transpose_lhs_hint = false} : vector<128x128xf32>, vector<128x64xf32>, vector<128x64xf32> -> vector<128x64xf32>
    %add3A_351 = vector.broadcast %add3A_347 : vector<1x64xf32> to vector<128x64xf32>
    %add3A_352 = arith.addf %dot_general3A_350, %add3A_351 : vector<128x64xf32>
    %mul3A_353 = arith.mulf %add3A_352, %slice3A_348 : vector<128x64xf32>
    %reduce_sum3A_354 = arith.constant dense<0.000000e+00> : vector<128xf32>
    %reduce_sum3A_355 = vector.multi_reduction <add>, %mul3A_353, %reduce_sum3A_354 [1] : vector<128x64xf32> to vector<128xf32>
    %broadcast_in_dim3A_356 = vector.shape_cast %reduce_sum3A_355 : vector<128xf32> to vector<128x1xf32>
    %reduce_sum3A_357 = arith.constant dense<0.000000e+00> : vector<64xf32>
    %reduce_sum3A_358 = vector.multi_reduction <add>, %slice3A_348, %reduce_sum3A_357 [0] : vector<128x64xf32> to vector<64xf32>
    %broadcast_in_dim3A_359 = vector.shape_cast %reduce_sum3A_358 : vector<64xf32> to vector<1x64xf32>
    %add3A_360 = arith.addf %add3A_347, %broadcast_in_dim3A_359 : vector<1x64xf32>
    %slice3A_361 = vector.extract_strided_slice %convert_element_type3A_27 {offsets = [1152, 0], sizes = [128, 64], strides = [1, 1]} : vector<2048x64xf32> to vector<128x64xf32>
    %dot_general3A_362 = arith.constant dense<0.000000e+00> : vector<128x64xf32>
    %dot_general3A_363 = tpu.matmul %convert_element_type3A_37, %slice3A_361, %dot_general3A_362 {dimension_numbers = #tpu.dot_dimension_numbers<[1], [0], [0], [1], [0, 0, 1, 1], [], []>, transpose_lhs_hint = false} : vector<128x128xf32>, vector<128x64xf32>, vector<128x64xf32> -> vector<128x64xf32>
    %add3A_364 = vector.broadcast %add3A_360 : vector<1x64xf32> to vector<128x64xf32>
    %add3A_365 = arith.addf %dot_general3A_363, %add3A_364 : vector<128x64xf32>
    %mul3A_366 = arith.mulf %add3A_365, %slice3A_361 : vector<128x64xf32>
    %reduce_sum3A_367 = arith.constant dense<0.000000e+00> : vector<128xf32>
    %reduce_sum3A_368 = vector.multi_reduction <add>, %mul3A_366, %reduce_sum3A_367 [1] : vector<128x64xf32> to vector<128xf32>
    %broadcast_in_dim3A_369 = vector.shape_cast %reduce_sum3A_368 : vector<128xf32> to vector<128x1xf32>
    %reduce_sum3A_370 = arith.constant dense<0.000000e+00> : vector<64xf32>
    %reduce_sum3A_371 = vector.multi_reduction <add>, %slice3A_361, %reduce_sum3A_370 [0] : vector<128x64xf32> to vector<64xf32>
    %broadcast_in_dim3A_372 = vector.shape_cast %reduce_sum3A_371 : vector<64xf32> to vector<1x64xf32>
    %add3A_373 = arith.addf %add3A_360, %broadcast_in_dim3A_372 : vector<1x64xf32>
    %slice3A_374 = vector.extract_strided_slice %convert_element_type3A_27 {offsets = [1280, 0], sizes = [128, 64], strides = [1, 1]} : vector<2048x64xf32> to vector<128x64xf32>
    %dot_general3A_375 = arith.constant dense<0.000000e+00> : vector<128x64xf32>
    %dot_general3A_376 = tpu.matmul %convert_element_type3A_37, %slice3A_374, %dot_general3A_375 {dimension_numbers = #tpu.dot_dimension_numbers<[1], [0], [0], [1], [0, 0, 1, 1], [], []>, transpose_lhs_hint = false} : vector<128x128xf32>, vector<128x64xf32>, vector<128x64xf32> -> vector<128x64xf32>
    %add3A_377 = vector.broadcast %add3A_373 : vector<1x64xf32> to vector<128x64xf32>
    %add3A_378 = arith.addf %dot_general3A_376, %add3A_377 : vector<128x64xf32>
    %mul3A_379 = arith.mulf %add3A_378, %slice3A_374 : vector<128x64xf32>
    %reduce_sum3A_380 = arith.constant dense<0.000000e+00> : vector<128xf32>
    %reduce_sum3A_381 = vector.multi_reduction <add>, %mul3A_379, %reduce_sum3A_380 [1] : vector<128x64xf32> to vector<128xf32>
    %broadcast_in_dim3A_382 = vector.shape_cast %reduce_sum3A_381 : vector<128xf32> to vector<128x1xf32>
    %reduce_sum3A_383 = arith.constant dense<0.000000e+00> : vector<64xf32>
    %reduce_sum3A_384 = vector.multi_reduction <add>, %slice3A_374, %reduce_sum3A_383 [0] : vector<128x64xf32> to vector<64xf32>
    %broadcast_in_dim3A_385 = vector.shape_cast %reduce_sum3A_384 : vector<64xf32> to vector<1x64xf32>
    %add3A_386 = arith.addf %add3A_373, %broadcast_in_dim3A_385 : vector<1x64xf32>
    %slice3A_387 = vector.extract_strided_slice %convert_element_type3A_27 {offsets = [1408, 0], sizes = [128, 64], strides = [1, 1]} : vector<2048x64xf32> to vector<128x64xf32>
    %dot_general3A_388 = arith.constant dense<0.000000e+00> : vector<128x64xf32>
    %dot_general3A_389 = tpu.matmul %convert_element_type3A_37, %slice3A_387, %dot_general3A_388 {dimension_numbers = #tpu.dot_dimension_numbers<[1], [0], [0], [1], [0, 0, 1, 1], [], []>, transpose_lhs_hint = false} : vector<128x128xf32>, vector<128x64xf32>, vector<128x64xf32> -> vector<128x64xf32>
    %add3A_390 = vector.broadcast %add3A_386 : vector<1x64xf32> to vector<128x64xf32>
    %add3A_391 = arith.addf %dot_general3A_389, %add3A_390 : vector<128x64xf32>
    %mul3A_392 = arith.mulf %add3A_391, %slice3A_387 : vector<128x64xf32>
    %reduce_sum3A_393 = arith.constant dense<0.000000e+00> : vector<128xf32>
    %reduce_sum3A_394 = vector.multi_reduction <add>, %mul3A_392, %reduce_sum3A_393 [1] : vector<128x64xf32> to vector<128xf32>
    %broadcast_in_dim3A_395 = vector.shape_cast %reduce_sum3A_394 : vector<128xf32> to vector<128x1xf32>
    %reduce_sum3A_396 = arith.constant dense<0.000000e+00> : vector<64xf32>
    %reduce_sum3A_397 = vector.multi_reduction <add>, %slice3A_387, %reduce_sum3A_396 [0] : vector<128x64xf32> to vector<64xf32>
    %broadcast_in_dim3A_398 = vector.shape_cast %reduce_sum3A_397 : vector<64xf32> to vector<1x64xf32>
    %add3A_399 = arith.addf %add3A_386, %broadcast_in_dim3A_398 : vector<1x64xf32>
    %slice3A_400 = vector.extract_strided_slice %convert_element_type3A_27 {offsets = [1536, 0], sizes = [128, 64], strides = [1, 1]} : vector<2048x64xf32> to vector<128x64xf32>
    %dot_general3A_401 = arith.constant dense<0.000000e+00> : vector<128x64xf32>
    %dot_general3A_402 = tpu.matmul %convert_element_type3A_37, %slice3A_400, %dot_general3A_401 {dimension_numbers = #tpu.dot_dimension_numbers<[1], [0], [0], [1], [0, 0, 1, 1], [], []>, transpose_lhs_hint = false} : vector<128x128xf32>, vector<128x64xf32>, vector<128x64xf32> -> vector<128x64xf32>
    %add3A_403 = vector.broadcast %add3A_399 : vector<1x64xf32> to vector<128x64xf32>
    %add3A_404 = arith.addf %dot_general3A_402, %add3A_403 : vector<128x64xf32>
    %mul3A_405 = arith.mulf %add3A_404, %slice3A_400 : vector<128x64xf32>
    %reduce_sum3A_406 = arith.constant dense<0.000000e+00> : vector<128xf32>
    %reduce_sum3A_407 = vector.multi_reduction <add>, %mul3A_405, %reduce_sum3A_406 [1] : vector<128x64xf32> to vector<128xf32>
    %broadcast_in_dim3A_408 = vector.shape_cast %reduce_sum3A_407 : vector<128xf32> to vector<128x1xf32>
    %reduce_sum3A_409 = arith.constant dense<0.000000e+00> : vector<64xf32>
    %reduce_sum3A_410 = vector.multi_reduction <add>, %slice3A_400, %reduce_sum3A_409 [0] : vector<128x64xf32> to vector<64xf32>
    %broadcast_in_dim3A_411 = vector.shape_cast %reduce_sum3A_410 : vector<64xf32> to vector<1x64xf32>
    %add3A_412 = arith.addf %add3A_399, %broadcast_in_dim3A_411 : vector<1x64xf32>
    %slice3A_413 = vector.extract_strided_slice %convert_element_type3A_27 {offsets = [1664, 0], sizes = [128, 64], strides = [1, 1]} : vector<2048x64xf32> to vector<128x64xf32>
    %dot_general3A_414 = arith.constant dense<0.000000e+00> : vector<128x64xf32>
    %dot_general3A_415 = tpu.matmul %convert_element_type3A_37, %slice3A_413, %dot_general3A_414 {dimension_numbers = #tpu.dot_dimension_numbers<[1], [0], [0], [1], [0, 0, 1, 1], [], []>, transpose_lhs_hint = false} : vector<128x128xf32>, vector<128x64xf32>, vector<128x64xf32> -> vector<128x64xf32>
    %add3A_416 = vector.broadcast %add3A_412 : vector<1x64xf32> to vector<128x64xf32>
    %add3A_417 = arith.addf %dot_general3A_415, %add3A_416 : vector<128x64xf32>
    %mul3A_418 = arith.mulf %add3A_417, %slice3A_413 : vector<128x64xf32>
    %reduce_sum3A_419 = arith.constant dense<0.000000e+00> : vector<128xf32>
    %reduce_sum3A_420 = vector.multi_reduction <add>, %mul3A_418, %reduce_sum3A_419 [1] : vector<128x64xf32> to vector<128xf32>
    %broadcast_in_dim3A_421 = vector.shape_cast %reduce_sum3A_420 : vector<128xf32> to vector<128x1xf32>
    %reduce_sum3A_422 = arith.constant dense<0.000000e+00> : vector<64xf32>
    %reduce_sum3A_423 = vector.multi_reduction <add>, %slice3A_413, %reduce_sum3A_422 [0] : vector<128x64xf32> to vector<64xf32>
    %broadcast_in_dim3A_424 = vector.shape_cast %reduce_sum3A_423 : vector<64xf32> to vector<1x64xf32>
    %add3A_425 = arith.addf %add3A_412, %broadcast_in_dim3A_424 : vector<1x64xf32>
    %slice3A_426 = vector.extract_strided_slice %convert_element_type3A_27 {offsets = [1792, 0], sizes = [128, 64], strides = [1, 1]} : vector<2048x64xf32> to vector<128x64xf32>
    %dot_general3A_427 = arith.constant dense<0.000000e+00> : vector<128x64xf32>
    %dot_general3A_428 = tpu.matmul %convert_element_type3A_37, %slice3A_426, %dot_general3A_427 {dimension_numbers = #tpu.dot_dimension_numbers<[1], [0], [0], [1], [0, 0, 1, 1], [], []>, transpose_lhs_hint = false} : vector<128x128xf32>, vector<128x64xf32>, vector<128x64xf32> -> vector<128x64xf32>
    %add3A_429 = vector.broadcast %add3A_425 : vector<1x64xf32> to vector<128x64xf32>
    %add3A_430 = arith.addf %dot_general3A_428, %add3A_429 : vector<128x64xf32>
    %mul3A_431 = arith.mulf %add3A_430, %slice3A_426 : vector<128x64xf32>
    %reduce_sum3A_432 = arith.constant dense<0.000000e+00> : vector<128xf32>
    %reduce_sum3A_433 = vector.multi_reduction <add>, %mul3A_431, %reduce_sum3A_432 [1] : vector<128x64xf32> to vector<128xf32>
    %broadcast_in_dim3A_434 = vector.shape_cast %reduce_sum3A_433 : vector<128xf32> to vector<128x1xf32>
    %reduce_sum3A_435 = arith.constant dense<0.000000e+00> : vector<64xf32>
    %reduce_sum3A_436 = vector.multi_reduction <add>, %slice3A_426, %reduce_sum3A_435 [0] : vector<128x64xf32> to vector<64xf32>
    %broadcast_in_dim3A_437 = vector.shape_cast %reduce_sum3A_436 : vector<64xf32> to vector<1x64xf32>
    %add3A_438 = arith.addf %add3A_425, %broadcast_in_dim3A_437 : vector<1x64xf32>
    %slice3A_439 = vector.extract_strided_slice %convert_element_type3A_27 {offsets = [1920, 0], sizes = [128, 64], strides = [1, 1]} : vector<2048x64xf32> to vector<128x64xf32>
    %dot_general3A_440 = arith.constant dense<0.000000e+00> : vector<128x64xf32>
    %dot_general3A_441 = tpu.matmul %convert_element_type3A_37, %slice3A_439, %dot_general3A_440 {dimension_numbers = #tpu.dot_dimension_numbers<[1], [0], [0], [1], [0, 0, 1, 1], [], []>, transpose_lhs_hint = false} : vector<128x128xf32>, vector<128x64xf32>, vector<128x64xf32> -> vector<128x64xf32>
    %add3A_442 = vector.broadcast %add3A_438 : vector<1x64xf32> to vector<128x64xf32>
    %add3A_443 = arith.addf %dot_general3A_441, %add3A_442 : vector<128x64xf32>
    %mul3A_444 = arith.mulf %add3A_443, %slice3A_439 : vector<128x64xf32>
    %reduce_sum3A_445 = arith.constant dense<0.000000e+00> : vector<128xf32>
    %reduce_sum3A_446 = vector.multi_reduction <add>, %mul3A_444, %reduce_sum3A_445 [1] : vector<128x64xf32> to vector<128xf32>
    %broadcast_in_dim3A_447 = vector.shape_cast %reduce_sum3A_446 : vector<128xf32> to vector<128x1xf32>
    %reduce_sum3A_448 = arith.constant dense<0.000000e+00> : vector<64xf32>
    %reduce_sum3A_449 = vector.multi_reduction <add>, %slice3A_439, %reduce_sum3A_448 [0] : vector<128x64xf32> to vector<64xf32>
    %broadcast_in_dim3A_450 = vector.shape_cast %reduce_sum3A_449 : vector<64xf32> to vector<1x64xf32>
    %add3A_451 = arith.addf %add3A_438, %broadcast_in_dim3A_450 : vector<1x64xf32>
    %add3A_452 = arith.constant 1.270000e+02 : f32
    %add3A_453 = vector.broadcast %add3A_452 : f32 to vector<1x64xf32>
    %add3A_454 = arith.addf %add3A_451, %add3A_453 : vector<1x64xf32>
    %div3A_455 = arith.constant 1.280000e+02 : f32
    %div3A_456 = vector.broadcast %div3A_455 : f32 to vector<1x64xf32>
    %div3A_457 = arith.divf %add3A_454, %div3A_456 : vector<1x64xf32>
    %floor3A = math.floor %div3A_457 : vector<1x64xf32>
    %iota3A_458 = tpu.iota {dimensions = array<i32: 0>} : vector<64x64xi32>
    %iota3A_459 = tpu.iota {dimensions = array<i32: 1>} : vector<64x64xi32>
    %lt3A = arith.cmpi slt, %iota3A_458, %iota3A_459 : vector<64x64xi32>
    %convert_element_type3A_460 = arith.extui %lt3A : vector<64x64xi1> to vector<64x64xi32>
    %convert_element_type3A_461 = arith.sitofp %convert_element_type3A_460 : vector<64x64xi32> to vector<64x64xf32>
    %dot_general3A_462 = arith.constant dense<0.000000e+00> : vector<1x64xf32>
    %dot_general3A_463 = tpu.matmul %floor3A, %convert_element_type3A_461, %dot_general3A_462 {dimension_numbers = #tpu.dot_dimension_numbers<[1], [0], [0], [1], [0, 0, 1, 1], [], []>, transpose_lhs_hint = false} : vector<1x64xf32>, vector<64x64xf32>, vector<1x64xf32> -> vector<1x64xf32>
    %mul3A_464 = arith.constant 1.280000e+02 : f32
    %mul3A_465 = vector.broadcast %mul3A_464 : f32 to vector<1x64xf32>
    %mul3A_466 = arith.mulf %dot_general3A_463, %mul3A_465 : vector<1x64xf32>
    %concatenate3A = tpu.concatenate %broadcast_in_dim3A_44, %broadcast_in_dim3A_57, %broadcast_in_dim3A_70, %broadcast_in_dim3A_83, %broadcast_in_dim3A_96, %broadcast_in_dim3A_109, %broadcast_in_dim3A_122, %broadcast_in_dim3A_135, %broadcast_in_dim3A_148, %broadcast_in_dim3A_161, %broadcast_in_dim3A_174, %broadcast_in_dim3A_187, %broadcast_in_dim3A_200, %broadcast_in_dim3A_213, %broadcast_in_dim3A_226, %broadcast_in_dim3A_239 in 0 : vector<128x1xf32>, vector<128x1xf32>, vector<128x1xf32>, vector<128x1xf32>, vector<128x1xf32>, vector<128x1xf32>, vector<128x1xf32>, vector<128x1xf32>, vector<128x1xf32>, vector<128x1xf32>, vector<128x1xf32>, vector<128x1xf32>, vector<128x1xf32>, vector<128x1xf32>, vector<128x1xf32>, vector<128x1xf32> -> vector<2048x1xf32>
    %concatenate3A_467 = tpu.concatenate %broadcast_in_dim3A_252, %broadcast_in_dim3A_265, %broadcast_in_dim3A_278, %broadcast_in_dim3A_291, %broadcast_in_dim3A_304, %broadcast_in_dim3A_317, %broadcast_in_dim3A_330, %broadcast_in_dim3A_343, %broadcast_in_dim3A_356, %broadcast_in_dim3A_369, %broadcast_in_dim3A_382, %broadcast_in_dim3A_395, %broadcast_in_dim3A_408, %broadcast_in_dim3A_421, %broadcast_in_dim3A_434, %broadcast_in_dim3A_447 in 0 : vector<128x1xf32>, vector<128x1xf32>, vector<128x1xf32>, vector<128x1xf32>, vector<128x1xf32>, vector<128x1xf32>, vector<128x1xf32>, vector<128x1xf32>, vector<128x1xf32>, vector<128x1xf32>, vector<128x1xf32>, vector<128x1xf32>, vector<128x1xf32>, vector<128x1xf32>, vector<128x1xf32>, vector<128x1xf32> -> vector<2048x1xf32>
    %mul3A_468 = vector.broadcast %mul3A_466 : vector<1x64xf32> to vector<2048x64xf32>
    %mul3A_469 = arith.mulf %convert_element_type3A_9, %mul3A_468 : vector<2048x64xf32>
    %reduce_sum3A_470 = arith.constant dense<0.000000e+00> : vector<2048xf32>
    %reduce_sum3A_471 = vector.multi_reduction <add>, %mul3A_469, %reduce_sum3A_470 [1] : vector<2048x64xf32> to vector<2048xf32>
    %broadcast_in_dim3A_472 = vector.shape_cast %reduce_sum3A_471 : vector<2048xf32> to vector<2048x1xf32>
    %mul3A_473 = vector.broadcast %mul3A_466 : vector<1x64xf32> to vector<2048x64xf32>
    %mul3A_474 = arith.mulf %convert_element_type3A_27, %mul3A_473 : vector<2048x64xf32>
    %reduce_sum3A_475 = arith.constant dense<0.000000e+00> : vector<2048xf32>
    %reduce_sum3A_476 = vector.multi_reduction <add>, %mul3A_474, %reduce_sum3A_475 [1] : vector<2048x64xf32> to vector<2048xf32>
    %broadcast_in_dim3A_477 = vector.shape_cast %reduce_sum3A_476 : vector<2048xf32> to vector<2048x1xf32>
    %add3A_478 = arith.addf %broadcast_in_dim3A_472, %concatenate3A : vector<2048x1xf32>
    %convert_element_type3A_479 = arith.fptosi %add3A_478 : vector<2048x1xf32> to vector<2048x1xi32>
    %swap3A_480 = arith.constant 0 : index
    %swap3A_481 = arith.constant 0 : index
    %swap3A_482 = vector.load %arg3[%swap3A_480, %swap3A_481] : memref<2048x1xi32, #tpu.memory_space<vmem>>, vector<2048x1xi32>
    tpu.vector_store %arg3[%swap3A_480, %swap3A_481], %convert_element_type3A_479 {strides = array<i32>} : memref<2048x1xi32, #tpu.memory_space<vmem>>, vector<2048x1xi32>,
    %add3A_483 = arith.addf %broadcast_in_dim3A_477, %concatenate3A_467 : vector<2048x1xf32>
    %convert_element_type3A_484 = arith.fptosi %add3A_483 : vector<2048x1xf32> to vector<2048x1xi32>
    %swap3A_485 = arith.constant 0 : index
    %swap3A_486 = arith.constant 0 : index
    %swap3A_487 = vector.load %arg4[%swap3A_485, %swap3A_486] : memref<2048x1xi32, #tpu.memory_space<vmem>>, vector<2048x1xi32>
    tpu.vector_store %arg4[%swap3A_485, %swap3A_486], %convert_element_type3A_484 {strides = array<i32>} : memref<2048x1xi32, #tpu.memory_space<vmem>>, vector<2048x1xi32>,
    %iota3A_488 = tpu.iota {dimensions = array<i32: 0>} : vector<128x64xi32>
    %convert_element_type3A_489 = arith.sitofp %iota3A_488 : vector<128x64xi32> to vector<128x64xf32>
    %le3A = vector.broadcast %dot_general3A_463 : vector<1x64xf32> to vector<128x64xf32>
    %le3A_490 = arith.cmpf ole, %le3A, %convert_element_type3A_489 : vector<128x64xf32>
    %convert_element_type3A_491 = arith.extui %le3A_490 : vector<128x64xi1> to vector<128x64xi32>
    %convert_element_type3A_492 = arith.sitofp %convert_element_type3A_491 : vector<128x64xi32> to vector<128x64xf32>
    %reduce_sum3A_493 = arith.constant dense<0.000000e+00> : vector<128xf32>
    %reduce_sum3A_494 = vector.multi_reduction <add>, %convert_element_type3A_492, %reduce_sum3A_493 [1] : vector<128x64xf32> to vector<128xf32>
    %broadcast_in_dim3A_495 = vector.shape_cast %reduce_sum3A_494 : vector<128xf32> to vector<128x1xf32>
    %sub3A = arith.constant 1.000000e+00 : f32
    %sub3A_496 = vector.broadcast %sub3A : f32 to vector<128x1xf32>
    %sub3A_497 = arith.subf %broadcast_in_dim3A_495, %sub3A_496 : vector<128x1xf32>
    %min3A = arith.constant 6.300000e+01 : f32
    %min3A_498 = vector.broadcast %min3A : f32 to vector<128x1xf32>
    %min3A_499 = arith.minimumf %sub3A_497, %min3A_498 : vector<128x1xf32>
    %convert_element_type3A_500 = arith.fptosi %min3A_499 : vector<128x1xf32> to vector<128x1xi32>
    %swap3A_501 = arith.constant 0 : index
    %swap3A_502 = arith.constant 0 : index
    %swap3A_503 = vector.load %arg5[%swap3A_501, %swap3A_502] : memref<128x1xi32, #tpu.memory_space<vmem>>, vector<128x1xi32>
    tpu.vector_store %arg5[%swap3A_501, %swap3A_502], %convert_element_type3A_500 {strides = array<i32>} : memref<128x1xi32, #tpu.memory_space<vmem>>, vector<128x1xi32>,
    return
  }
}

module attributes {stable_mosaic.version = 14 : i64} {
  func.func @_ffn_body(%arg0: i32, %arg1: memref<96xi32, #tpu.memory_space<smem>>, %arg2: memref<128x1024xf32, #tpu.memory_space<vmem>>, %arg3: memref<1x1024x512xf32, #tpu.memory_space<vmem>>, %arg4: memref<1x1024x512xf32, #tpu.memory_space<vmem>>, %arg5: memref<1x512x1024xf32, #tpu.memory_space<vmem>>, %arg6: memref<128x1024xf32, #tpu.memory_space<vmem>>) attributes {dimension_semantics = [#tpu.dimension_semantics<arbitrary>], iteration_bounds = array<i64: 96>, scalar_prefetch = 1 : i64, scratch_operands = 0 : i64, tpu.core_type = #tpu.core_type<tc>, window_params = [{transform_indices = @transform_0, window_bounds = array<i64: 128, 1024>}, {transform_indices = @transform_1, window_bounds = array<i64: 1, 1024, 512>}, {transform_indices = @transform_2, window_bounds = array<i64: 1, 1024, 512>}, {transform_indices = @transform_3, window_bounds = array<i64: 1, 512, 1024>}, {transform_indices = @transform_4, window_bounds = array<i64: 128, 1024>}]} {
    %get3A = arith.constant 0 : index
    %get3A_0 = arith.constant 0 : index
    %get3A_1 = vector.load %arg2[%get3A, %get3A_0] : memref<128x1024xf32, #tpu.memory_space<vmem>>, vector<128x1024xf32>
    %convert_element_type3A = arith.truncf %get3A_1 : vector<128x1024xf32> to vector<128x1024xbf16>
    %get3A_2 = arith.constant 0 : index
    %get3A_3 = arith.constant 0 : index
    %get3A_4 = arith.constant 0 : index
    %get3A_5 = vector.load %arg3[%get3A_2, %get3A_3, %get3A_4] : memref<1x1024x512xf32, #tpu.memory_space<vmem>>, vector<1x1024x512xf32>
    %get3A_6 = vector.shape_cast %get3A_5 : vector<1x1024x512xf32> to vector<1024x512xf32>
    %convert_element_type3A_7 = arith.truncf %get3A_6 : vector<1024x512xf32> to vector<1024x512xbf16>
    %get3A_8 = arith.constant 0 : index
    %get3A_9 = arith.constant 0 : index
    %get3A_10 = arith.constant 0 : index
    %get3A_11 = vector.load %arg4[%get3A_8, %get3A_9, %get3A_10] : memref<1x1024x512xf32, #tpu.memory_space<vmem>>, vector<1x1024x512xf32>
    %get3A_12 = vector.shape_cast %get3A_11 : vector<1x1024x512xf32> to vector<1024x512xf32>
    %convert_element_type3A_13 = arith.truncf %get3A_12 : vector<1024x512xf32> to vector<1024x512xbf16>
    %dot_general3A = arith.constant dense<0.000000e+00> : vector<128x512xf32>
    %dot_general3A_14 = tpu.matmul %convert_element_type3A, %convert_element_type3A_7, %dot_general3A {dimension_numbers = #tpu.dot_dimension_numbers<[1], [0], [0], [1], [0, 0, 1, 1], [], []>, transpose_lhs_hint = false} : vector<128x1024xbf16>, vector<1024x512xbf16>, vector<128x512xf32> -> vector<128x512xf32>
    %dot_general3A_15 = arith.constant dense<0.000000e+00> : vector<128x512xf32>
    %dot_general3A_16 = tpu.matmul %convert_element_type3A, %convert_element_type3A_13, %dot_general3A_15 {dimension_numbers = #tpu.dot_dimension_numbers<[1], [0], [0], [1], [0, 0, 1, 1], [], []>, transpose_lhs_hint = false} : vector<128x1024xbf16>, vector<1024x512xbf16>, vector<128x512xf32> -> vector<128x512xf32>
    %neg3A = arith.constant 0.000000e+00 : f32
    %neg3A_17 = vector.broadcast %neg3A : f32 to vector<128x512xf32>
    %neg3A_18 = arith.subf %neg3A_17, %dot_general3A_14 : vector<128x512xf32>
    %exp3A = math.exp %neg3A_18 : vector<128x512xf32>
    %add3A = arith.constant 1.000000e+00 : f32
    %add3A_19 = vector.broadcast %add3A : f32 to vector<128x512xf32>
    %add3A_20 = arith.addf %add3A_19, %exp3A : vector<128x512xf32>
    %div3A = arith.constant 1.000000e+00 : f32
    %div3A_21 = vector.broadcast %div3A : f32 to vector<128x512xf32>
    %div3A_22 = arith.divf %div3A_21, %add3A_20 : vector<128x512xf32>
    %mul3A = arith.mulf %dot_general3A_14, %div3A_22 : vector<128x512xf32>
    %mul3A_23 = arith.mulf %mul3A, %dot_general3A_16 : vector<128x512xf32>
    %convert_element_type3A_24 = arith.truncf %mul3A_23 : vector<128x512xf32> to vector<128x512xbf16>
    %get3A_25 = arith.constant 0 : index
    %get3A_26 = arith.constant 0 : index
    %get3A_27 = arith.constant 0 : index
    %get3A_28 = vector.load %arg5[%get3A_25, %get3A_26, %get3A_27] : memref<1x512x1024xf32, #tpu.memory_space<vmem>>, vector<1x512x1024xf32>
    %get3A_29 = vector.shape_cast %get3A_28 : vector<1x512x1024xf32> to vector<512x1024xf32>
    %convert_element_type3A_30 = arith.truncf %get3A_29 : vector<512x1024xf32> to vector<512x1024xbf16>
    %dot_general3A_31 = arith.constant dense<0.000000e+00> : vector<128x1024xf32>
    %dot_general3A_32 = tpu.matmul %convert_element_type3A_24, %convert_element_type3A_30, %dot_general3A_31 {dimension_numbers = #tpu.dot_dimension_numbers<[1], [0], [0], [1], [0, 0, 1, 1], [], []>, transpose_lhs_hint = false} : vector<128x512xbf16>, vector<512x1024xbf16>, vector<128x1024xf32> -> vector<128x1024xf32>
    %swap3A = arith.constant 0 : index
    %swap3A_33 = arith.constant 0 : index
    %swap3A_34 = vector.load %arg6[%swap3A, %swap3A_33] : memref<128x1024xf32, #tpu.memory_space<vmem>>, vector<128x1024xf32>
    tpu.vector_store %arg6[%swap3A, %swap3A_33], %dot_general3A_32 {strides = array<i32>} : memref<128x1024xf32, #tpu.memory_space<vmem>>, vector<128x1024xf32>,
    return
  }
  func.func @transform_0(%arg0: i32, %arg1: memref<96xi32, #tpu.memory_space<smem>>) -> (i32, i32) {
    %c0_i32 = arith.constant 0 : i32
    %c0_i32_0 = arith.constant 0 : i32
    return %arg0, %c0_i32 : i32, i32
  }
  func.func @transform_1(%arg0: i32, %arg1: memref<96xi32, #tpu.memory_space<smem>>) -> (i32, i32, i32) {
    %get3A = arith.index_cast %arg0 : i32 to index
    %get3A_0 = memref.load %arg1[%get3A] : memref<96xi32, #tpu.memory_space<smem>>
    %c0_i32 = arith.constant 0 : i32
    %c0_i32_1 = arith.constant 0 : i32
    %c0_i32_2 = arith.constant 0 : i32
    return %get3A_0, %c0_i32, %c0_i32_1 : i32, i32, i32
  }
  func.func @transform_2(%arg0: i32, %arg1: memref<96xi32, #tpu.memory_space<smem>>) -> (i32, i32, i32) {
    %get3A = arith.index_cast %arg0 : i32 to index
    %get3A_0 = memref.load %arg1[%get3A] : memref<96xi32, #tpu.memory_space<smem>>
    %c0_i32 = arith.constant 0 : i32
    %c0_i32_1 = arith.constant 0 : i32
    %c0_i32_2 = arith.constant 0 : i32
    return %get3A_0, %c0_i32, %c0_i32_1 : i32, i32, i32
  }
  func.func @transform_3(%arg0: i32, %arg1: memref<96xi32, #tpu.memory_space<smem>>) -> (i32, i32, i32) {
    %get3A = arith.index_cast %arg0 : i32 to index
    %get3A_0 = memref.load %arg1[%get3A] : memref<96xi32, #tpu.memory_space<smem>>
    %c0_i32 = arith.constant 0 : i32
    %c0_i32_1 = arith.constant 0 : i32
    %c0_i32_2 = arith.constant 0 : i32
    return %get3A_0, %c0_i32, %c0_i32_1 : i32, i32, i32
  }
  func.func @transform_4(%arg0: i32, %arg1: memref<96xi32, #tpu.memory_space<smem>>) -> (i32, i32) {
    %c0_i32 = arith.constant 0 : i32
    %c0_i32_0 = arith.constant 0 : i32
    return %arg0, %c0_i32 : i32, i32
  }
}

module attributes {stable_mosaic.version = 14 : i64} {
  func.func @_final_body(%arg0: i32, %arg1: memref<128x1024xf32, #tpu.memory_space<vmem>>, %arg2: memref<128x1024xf32, #tpu.memory_space<vmem>>, %arg3: memref<128x1024xf32, #tpu.memory_space<vmem>>, %arg4: memref<128x1xf32, #tpu.memory_space<vmem>>, %arg5: memref<128x1xf32, #tpu.memory_space<vmem>>, %arg6: memref<128x1024xf32, #tpu.memory_space<vmem>>) attributes {dimension_semantics = [#tpu.dimension_semantics<arbitrary>], iteration_bounds = array<i64: 16>, scalar_prefetch = 0 : i64, scratch_operands = 0 : i64, tpu.core_type = #tpu.core_type<tc>, window_params = [{transform_indices = @transform_0, window_bounds = array<i64: 128, 1024>}, {transform_indices = @transform_1, window_bounds = array<i64: 128, 1024>}, {transform_indices = @transform_2, window_bounds = array<i64: 128, 1024>}, {transform_indices = @transform_3, window_bounds = array<i64: 128, 1>}, {transform_indices = @transform_4, window_bounds = array<i64: 128, 1>}, {transform_indices = @transform_5, window_bounds = array<i64: 128, 1024>}]} {
    %get3A = arith.constant 0 : index
    %get3A_0 = arith.constant 0 : index
    %get3A_1 = vector.load %arg1[%get3A, %get3A_0] : memref<128x1024xf32, #tpu.memory_space<vmem>>, vector<128x1024xf32>
    %get3A_2 = arith.constant 0 : index
    %get3A_3 = arith.constant 0 : index
    %get3A_4 = vector.load %arg4[%get3A_2, %get3A_3] : memref<128x1xf32, #tpu.memory_space<vmem>>, vector<128x1xf32>
    %get3A_5 = arith.constant 0 : index
    %get3A_6 = arith.constant 0 : index
    %get3A_7 = vector.load %arg2[%get3A_5, %get3A_6] : memref<128x1024xf32, #tpu.memory_space<vmem>>, vector<128x1024xf32>
    %mul3A = vector.broadcast %get3A_4 : vector<128x1xf32> to vector<128x1024xf32>
    %mul3A_8 = arith.mulf %mul3A, %get3A_7 : vector<128x1024xf32>
    %add3A = arith.addf %get3A_1, %mul3A_8 : vector<128x1024xf32>
    %get3A_9 = arith.constant 0 : index
    %get3A_10 = arith.constant 0 : index
    %get3A_11 = vector.load %arg5[%get3A_9, %get3A_10] : memref<128x1xf32, #tpu.memory_space<vmem>>, vector<128x1xf32>
    %get3A_12 = arith.constant 0 : index
    %get3A_13 = arith.constant 0 : index
    %get3A_14 = vector.load %arg3[%get3A_12, %get3A_13] : memref<128x1024xf32, #tpu.memory_space<vmem>>, vector<128x1024xf32>
    %mul3A_15 = vector.broadcast %get3A_11 : vector<128x1xf32> to vector<128x1024xf32>
    %mul3A_16 = arith.mulf %mul3A_15, %get3A_14 : vector<128x1024xf32>
    %add3A_17 = arith.addf %add3A, %mul3A_16 : vector<128x1024xf32>
    %swap3A = arith.constant 0 : index
    %swap3A_18 = arith.constant 0 : index
    %swap3A_19 = vector.load %arg6[%swap3A, %swap3A_18] : memref<128x1024xf32, #tpu.memory_space<vmem>>, vector<128x1024xf32>
    tpu.vector_store %arg6[%swap3A, %swap3A_18], %add3A_17 {strides = array<i32>} : memref<128x1024xf32, #tpu.memory_space<vmem>>, vector<128x1024xf32>,
    return
  }
  func.func @transform_0(%arg0: i32) -> (i32, i32) {
    %c0_i32 = arith.constant 0 : i32
    %c0_i32_0 = arith.constant 0 : i32
    return %arg0, %c0_i32 : i32, i32
  }
  func.func @transform_1(%arg0: i32) -> (i32, i32) {
    %c0_i32 = arith.constant 0 : i32
    %c0_i32_0 = arith.constant 0 : i32
    return %arg0, %c0_i32 : i32, i32
  }
  func.func @transform_2(%arg0: i32) -> (i32, i32) {
    %add3A = arith.constant 16 : i32
    %add3A_0 = arith.addi %arg0, %add3A : i32
    %c0_i32 = arith.constant 0 : i32
    %c0_i32_1 = arith.constant 0 : i32
    return %add3A_0, %c0_i32 : i32, i32
  }
  func.func @transform_3(%arg0: i32) -> (i32, i32) {
    %c0_i32 = arith.constant 0 : i32
    %c0_i32_0 = arith.constant 0 : i32
    return %arg0, %c0_i32 : i32, i32
  }
  func.func @transform_4(%arg0: i32) -> (i32, i32) {
    %c0_i32 = arith.constant 0 : i32
    %c0_i32_0 = arith.constant 0 : i32
    return %arg0, %c0_i32 : i32, i32
  }
  func.func @transform_5(%arg0: i32) -> (i32, i32) {
    %c0_i32 = arith.constant 0 : i32
    %c0_i32_0 = arith.constant 0 : i32
    return %arg0, %c0_i32 : i32, i32
  }
}

</mosaic_0001>

<sc_bundles>
// kernel: kernel.10.cloned.1.call-start
scs
__scs_entry_jumppad:
0x0: {  	(pc) =	sbr.rel $0x88, $3  }
0x1: {  	(tag) =	ssettag $0x0;
	lr =	simm.s32 $0x1  }
0x2: {  	[smem:$0x3F91] =	sst lr;
	_ =	strace $0xD0000000  }
0x3: {  	_ = 	snop  }
0x4: {  	_ = 	snop  }
0x5: {  	_ = 	snop  }
0x6: {  	_ = 	snop  }
0x7: {  	_ = 	snop  }
__scs_overlays_trampoline_lowered:
0x8: {  	[smem:$0x3FA0] =	sst s0  }
0x9: {  	[smem:$0x3FA1] =	sst s1  }
0xa: {  	[smem:$0x3FA2] =	sst s2  }
0xb: {  	[smem:$0x3FA3] =	sst s3  }
0xc: {  	[smem:$0x3FA4] =	sst s4  }
0xd: {  	[smem:$0x3FA5] =	sst s5  }
0xe: {  	[smem:$0x3FA6] =	sst s6  }
0xf: {  	[smem:$0x3FA7] =	sst s7  }
0x10: {  	[smem:$0x3FA8] =	sst s8  }
0x11: {  	[smem:$0x3FA9] =	sst s9;
	s0 =	simm.s32 @!p0 $0x0  }
0x12: {  	s1 =	sld [smem:$0x3F8F];
	s0 =	simm.s32 @p0 $0x1  }
0x13: {  	[smem:$0x3FAA] =	sst s0;
	s0 =	simm.s32 @!p1 $0x0  }
0x14: {  	s2 =	sld [smem:$0x3F8E];
	s0 =	simm.s32 @p1 $0x1  }
0x15: {  	[smem:$0x3FAB] =	sst s0;
	s0 =	simm.s32 @!p2 $0x0  }
0x16: {  	s3 =	sld [smem:$0x3FDB];
	s0 =	simm.s32 @p2 $0x1  }
0x17: {  	s4 =	simm.s32 $0x1BF5;
	[smem:$0x3FAD] =	sst s0  }
0x18: {  	s0 =	sld [smem:$0x3F90];
	_ =	swait.ge [sflag:s4], $0x0  }
0x19: {  	s7 =	sld [smem:$0x3F91]  }
0x1a: {  	s8 =	sadd.s32 $0xFFFFE003, lr  }
0x1b: {  	s9 =	sadd.s32 $0xFFFFFEF7, lr;
	s5 =	simm.s32 $0xFFFFFFFF;
	p2 =	slt.u32 s8, $0xFFFFF086  }
0x1c: {  	p1 =	slt.u32 s9, $0xF7A;
	s5 =	simm.s32 @!p2 $0x0  }
0x1d: {  	s5 =	simm.s32 @p1 $0x1;
	p0 =	seq.s32 s7, s2  }
0x1e: {  	s7 =	smul.u32 @!p0 $0xF7A, s2;
	p2 =	seq.s32 @!p0 s5, $0x0  }
0x1f: {  	s9 =	smul.u32 $0xF7A, s1;
	s8 =	simm.s32 @!p0 $0x1BF5;
	p2 =	por !p2, p0  }
0x20: {  	[sflag:s8] =	ssyncset.s32 @!p0 $0xFFFFF086;
	s6 =	sadd.s32 @!p0 s3, s7;
	s7 =	simm.s32 @!p0 $0x108  }
0x21: {  	s3 =	sadd.s32 s3, s9;
	s6 =	sadd.s32 @!p0 $0x88, s6;
	s7 =	simm.s32 @p2 $0x1082  }
0x22: {  	[simem:s7], [sflag:s8] =	dma.local @!p0 [hbm:s6], $0xF7A  }
0x23: {  	s9 =	sor.u32 $0xD0000000, s2;
	s6 =	simm.s32 $0x108;
	_ =	swait.ge @!p0 [sflag:s8], $0x0  }
0x24: {  	s3 =	sadd.s32 $0x88, s3;
	s6 =	simm.s32 @!p1 $0x1082;
	[sflag:s4] =	ssyncset.s32 $0xFFFFF086  }
0x25: {  	[simem:s6], [sflag:s4] =	dma.local [hbm:s3], $0xF7A  }
0x26: {  	[smem:$0x3F91] =	sst s1;
	(tag) =	ssettag s2;
	_ =	strace s9  }
0x27: {  	s1 =	sld [smem:$0x3FA1]  }
0x28: {  	s2 =	sld [smem:$0x3FA2]  }
0x29: {  	s4 =	sld [smem:$0x3FA4]  }
0x2a: {  	p0 =	seq.s32 s5, $0x0;
	s5 =	sld [smem:$0x3FA5]  }
0x2b: {  	s6 =	sld [smem:$0x3FA6]  }
0x2c: {  	s7 =	sld [smem:$0x3FA7]  }
0x2d: {  	s3 =	simm.s32 $0x108;
	s8 =	sld [smem:$0x3FA8]  }
0x2e: {  	s3 =	simm.s32 @!p0 $0x1082;
	s9 =	sld [smem:$0x3FA9]  }
0x2f: {  	lr =	sadd.s32 s0, s3;
	s0 =	sld [smem:$0x3FA0]  }
0x30: {  	s3 =	sld [smem:$0x3FA3]  }
0x31: {  	[smem:$0x3FAC] =	sst s10  }
0x32: {  	s10 =	sld [smem:$0x3FAA];
	_ =	sdelay $0x3  }
0x33: {  	p0 =	seq.s32 s10, $0x1;
	s10 =	sld [smem:$0x3FAC];
	_ =	sdelay $0x3  }
0x34: {  	[smem:$0x3FAC] =	sst s10  }
0x35: {  	s10 =	sld [smem:$0x3FAB];
	_ =	sdelay $0x3  }
0x36: {  	p1 =	seq.s32 s10, $0x1;
	s10 =	sld [smem:$0x3FAC];
	_ =	sdelay $0x3  }
0x37: {  	[smem:$0x3FAC] =	sst s10  }
0x38: {  	s10 =	sld [smem:$0x3FAD]  }
0x39: {  	_ = 	snop;
	(pc) =	sbr.ind lr, $3  }
0x3a: {  	_ = 	snop  }
0x3b: {  	_ = 	snop  }
0x3c: {  	p2 =	seq.s32 s10, $0x1;
	s10 =	sld [smem:$0x3FAC]  }
0x3d: {  	_ =	shalt  }
0x3e: {  	_ =	shalt  }
0x3f: {  	_ =	shalt  }
0x40: {  	_ =	shalt  }
0x41: {  	_ =	shalt  }
0x42: {  	_ =	shalt  }
0x43: {  	_ =	shalt  }
0x44: {  	_ =	shalt  }
0x45: {  	_ =	shalt  }
0x46: {  	_ =	shalt  }
0x47: {  	_ =	shalt  }
0x48: {  	_ =	shalt  }
0x49: {  	_ =	shalt  }
0x4a: {  	_ =	shalt  }
0x4b: {  	_ =	shalt  }
0x4c: {  	_ =	shalt  }
0x4d: {  	_ =	shalt  }
0x4e: {  	_ =	shalt  }
0x4f: {  	_ =	shalt  }
0x50: {  	_ =	shalt  }
0x51: {  	_ =	shalt  }
0x52: {  	_ =	shalt  }
0x53: {  	_ =	shalt  }
0x54: {  	_ =	shalt  }
0x55: {  	_ =	shalt  }
0x56: {  	_ =	shalt  }
0x57: {  	_ =	shalt  }
0x58: {  	_ =	shalt  }
0x59: {  	_ =	shalt  }
0x5a: {  	_ =	shalt  }
0x5b: {  	_ =	shalt  }
0x5c: {  	_ =	shalt  }
0x5d: {  	_ =	shalt  }
0x5e: {  	_ =	shalt  }
0x5f: {  	_ =	shalt  }
0x60: {  	_ =	shalt  }
0x61: {  	_ =	shalt  }
0x62: {  	_ =	shalt  }
0x63: {  	_ =	shalt  }
0x64: {  	_ =	shalt  }
0x65: {  	_ =	shalt  }
0x66: {  	_ =	shalt  }
0x67: {  	_ =	shalt  }
0x68: {  	_ =	shalt  }
0x69: {  	_ =	shalt  }
0x6a: {  	_ =	shalt  }
0x6b: {  	_ =	shalt  }
0x6c: {  	_ =	shalt  }
0x6d: {  	_ =	shalt  }
0x6e: {  	_ =	shalt  }
0x6f: {  	_ =	shalt  }
0x70: {  	_ =	shalt  }
0x71: {  	_ =	shalt  }
0x72: {  	_ =	shalt  }
0x73: {  	_ =	shalt  }
0x74: {  	_ =	shalt  }
0x75: {  	_ =	shalt  }
0x76: {  	_ =	shalt  }
0x77: {  	_ =	shalt  }
0x78: {  	_ =	shalt  }
0x79: {  	_ =	shalt  }
0x7a: {  	_ =	shalt  }
0x7b: {  	_ =	shalt  }
0x7c: {  	_ =	shalt  }
0x7d: {  	_ =	shalt  }
0x7e: {  	_ =	shalt  }
0x7f: {  	_ =	shalt  }
0x80: {  	_ =	shalt  }
0x81: {  	_ =	shalt  }
0x82: {  	_ =	shalt  }
0x83: {  	_ =	shalt  }
0x84: {  	_ =	shalt  }
0x85: {  	_ =	shalt  }
0x86: {  	_ =	shalt  }
0x87: {  	_ =	shalt  }
.Lfunc_end0:
.L_simem_size_0:
called_computation_lowered:
.L_overlay_start_0:
0x88: {  	s2 =	sld [smem:$0x3FD9]  }
0x89: {  	s3 =	sld [smem:$0x3FFE];
	_ =	sdelay $0x1  }
0x8a: {  	s1 =	srdreg.scid  }
0x8b: {  	s0 =	sand.u32 $0x1, s1  }
0x8c: {  	s16 =	sshll.u32 s0, $0xA;
	s2 =	sadd.s32 s3, s2  }
0x8d: {  	s2 =	sadd.s32 s2, s16  }
0x8e: {  	[smem:$0x3FB8] =	sst s2  }
0x8f: {  	_ = 	snop  }
0x90: {  	(tm) =	ssettm $0x1  }
0x91: {  	s17 =	sld [smem:$0x3FFB];
	_ =	sdelay $0x3  }
0x92: {  	_ =	strace s17  }
0x93: {  	s2 =	sld [smem:$0x3FFC];
	_ =	sdelay $0x3  }
0x94: {  	_ =	strace s2  }
0x95: {  	s2 =	sld [smem:$0x3FFD];
	_ =	sdelay $0x3  }
0x96: {  	_ =	strace s2  }
0x97: {  	_ =	strace $0x8FFFFFFF  }
0x98: {  	s18 =	sld [smem:$0x3FDB];
	_ =	sdelay $0x1  }
0x99: {  	s19 =	simm.s32 $_scs_section_size  }
0x9a: {  	s4 =	simm.s32 $_size__tile_overlayer_lowered;
	s5 =	simm.s32 $_tile_overlayer_lowered  }
0x9b: {  	s22 =	simm.s32 $0x1BFF;
	s21 =	sshll.u32 s5, $0x1;
	s2 =	sadd.s32 s19, s18  }
0x9c: {  	s6 =	simm.s32 $0x0;
	s20 =	sshll.u32 s4, $0x1;
	s4 =	sadd.s32 s21, s2  }
0x9d: {  	[timem:s6], [sflag:s22] =	dma.local [hbm:s4], s20  }
0x9e: {  	_ =	swait.ge [sflag:s22], s20  }
0x9f: {  	s3 =	ssub.s32 $0x0, s20;
	[sflag:s22] =	ssyncset.done $0x0  }
0xa0: {  	[sflag:s22] =	ssyncadd.s32 s3;
	_ =	sdelay $0x1  }
0xa1: {  	s23 =	simm.s32 $0x1B8B  }
0xa2: {  	_ =	swait.ge [sflag:s23], $0x1  }
0xa3: {  	[sflag:s23] =	ssyncset.done $0x0  }
0xa4: {  	s25 =	simm.s32 $0x1B8E;
	s24 =	sld [smem:$0x3FFE];
	[sflag:s23] =	ssyncadd.s32 $0xFFFFFFFF  }
0xa5: {  	s26 =	simm.s32 $execute0_lowered;
	[smem:$0x3FD2] =	sst s25  }
0xa6: {  	s4 =	sshll.u32 s26, $0x1;
	_ =	strace $0x80000046;
	[dreg:$0x1] =	wrdreg $0xFFFFFFFF  }
0xa7: {  	s28 =	simm.s32 $_size_execute0_lowered;
	s2 =	sadd.s32 s2, s4;
	[dreg:$0x0] =	wrdreg $0x0  }
0xa8: {  	s4 =	sshll.u32 s28, $0x1;
	[dreg:$0x2] =	wrdreg s2  }
0xa9: {  	[dreg:$0x3] =	wrdreg s4  }
0xaa: {  	[dreg:$0x4] =	wrdreg $0xC0  }
0xab: {  	_ =	task [dreg:s6], $0x5FFFF  }
0xac: {  	[dreg:$0x1] =	wrdreg $0xFFFFFFFF  }
0xad: {  	[dreg:$0x0] =	wrdreg $0x60  }
0xae: {  	[dreg:$0x2] =	wrdreg s24  }
0xaf: {  	[dreg:$0x3] =	wrdreg $0x9  }
0xb0: {  	_ =	task.clear_ibuf [dreg:s6], $0x4FFFF;
	_ =	strace $0x90000046  }
0xb1: {  	s29 =	simm.s32 $0x9;
	_ =	strace $0x80000048  }
0xb2: {  	_ =	swait.ge [sflag:s29], $0x1  }
0xb3: {  	[sflag:s29] =	ssyncadd.s32 $0xFFFFFFFF  }
0xb4: {  	_ =	strace $0x90000048  }
0xb5: {  	_ =	sfence  }
0xb6: {  	s30 =	sld [smem:$0x0];
	_ =	sdelay $0x2  }
0xb7: {  	s31 =	sshll.u32 s1, $0xD;
	s1 =	sshrl.u32 s1, $0x2  }
0xb8: {  	s3 =	sand.u32 $0x4000, s31;
	s1 =	sadd.s32 s1, s30  }
0xb9: {  	s0 =	sor.u32 s3, s0;
	s1 =	sshll.u32 s1, $0x11  }
0xba: {  	s0 =	sor.u32 s1, s0  }
0xbb: {  	s0 =	sadd.s32 $0x8F2B, s0  }
0xbc: {  	[sflag:s0] =	ssyncadd.remote.s32 $0x1  }
0xbd: {  	_ =	sfence.sel $0xFFFF  }
0xbe: {  	[dreg:$0x0] =	wrdreg $0xFFFFFFFF;
	(pc) =	sbr.abs _section_cstart, $3  }
0xbf: {  	[dreg:$0x1] =	wrdreg $0xFFFFFFFF  }
0xc0: {  	_ =	task.clear_ibuf [dreg:s6], $0x2FFFF;
	_ =	strace $0x9FFFFFFF  }
0xc1: {  	(tm) =	ssettm $0x7FFFFFFF  }
tec
execute0_lowered:
.L_overlay_start_1:
0x0: {  	(tag) =	ssettag $0x1  }
0x1: {  	s0 =	rddreg [dreg:$0x0]  }
0x2: {  	s1 =	simm.s32 $0x0;
	s2 =	srdreg.scid;
	s10 =	stileid.u32  }
0x3: {  	s18 =	simm.s32 $0x1;
	s28 =	simm.s32 $0x4080;
	s29 =	simm.s32 $0x4880  }
0x4: {  	s30 =	simm.s32 $0x5080;
	s31 =	simm.s32 $0x5880;
	s11 =	simm.s32 $0x7880  }
0x5: {  	s12 =	simm.s32 $0x8080;
	s13 =	simm.s32 $0x8880;
	s14 =	simm.s32 $0x9080  }
0x6: {  	s15 =	simm.s32 $0x9880;
	s16 =	simm.s32 $0xA080;
	s17 =	simm.s32 $0xA880  }
0x7: {  	[smem:$0x7FF] =	sst s1;
	s7 =	sadd.s32 $0x3000, s0;
	s2 =	sand.u32 $0x1, s2  }
0x8: {  	s5 =	sadd.s32 $0x5B000, s0;
	s8 =	sshll.u32 s10, $0x2;
	s3 =	sadd.s32 $0x5B400, s0  }
0x9: {  	s19 =	sshll.u32 s10, $0x6;
	_ =	strace $0x80000047;
	s4 =	ssub.s32 $0x2, s2  }
0xa: {  	s2 =	sshll.u32 s2, $0x1;
	s10 =	sand.u32 $0x380, s19;
	s6 =	sshrl.u32 s4, $0x1  }
0xb: {  	s2 =	sor.u32 s2, s8;
	s25 =	sadd.s32 s5, s10;
	s10 =	simm.s32 $0x7080  }
0xc: {  	s9 =	ssub.s32 s4, s6;
	s20 =	sshll.u32 s2, $0x4;
	s8 =	sshll.u32 s2, $0xD  }
0xd: {  	s2 =	sor.u32 $0x1, s2;
	s4 =	sadd.s32 $0x5B500, s0;
	s21 =	sadd.s32 s5, s20  }
0xe: {  	s22 =	sand.u32 $0x3C000, s8;
	s24 =	sshll.u32 s2, $0x4;
	s2 =	sshll.u32 s2, $0xD  }
0xf: {  	s5 =	sadd.s32 $0x5B600, s0;
	s20 =	simm.s32 $0x880;
	[dreg:$0x2] =	wrdreg s21  }
0x10: {  	s23 =	sadd.s32 s7, s22;
	s6 =	sand.u32 $0x70, s24;
	s2 =	sand.u32 $0x3E000, s2  }
0x11: {  	s21 =	simm.s32 $0x1080;
	s22 =	simm.s32 $0x1880;
	s24 =	simm.s32 $0x2880  }
0x12: {  	[dreg:$0x3] =	wrdreg s23;
	s8 =	sadd.s32 s6, s25;
	s6 =	sadd.s32 $0x5B700, s0  }
0x13: {  	v2 =	vlaneseq.u32;
	s26 =	sadd.s32 s7, s2;
	s7 =	smax.u32 s9, $0x1;
	s23 =	simm.s32 $0x2080  }
0x14: {  	vm0 =	vmmov $0xffff;
	v1 =	vshrl.u32 v2, $0x3;
	s25 =	simm.s32 $0x3080;
	s9 =	simm.s32 $0xB080;
	[dreg:$0x4] =	wrdreg s8  }
0x15: {  	v0 =	vand.u32 $0x7, v2;
	v2 =	vor.u32 $0x8, v2;
	v1 =	vmul.u32 $0x8, v1;
	[dreg:$0x5] =	wrdreg s26;
	s8 =	simm.s32 $0x2;
	s26 =	simm.s32 $0x3880  }
.LBB2_1:
0x16: {  	s19 =	rddreg [dreg:$0x2]  }
0x17: {  	[tilespmem:s1], [sflag:$0x2] =	stream.linear.gather [hbm4b:s19+s1], $0x80, $0x38;
	[tilespmem:$0x10080] =	vst v63  }
0x18: {  	_ =	swait.ge [sflag:s8], $0x80  }
0x19: {  	[sflag:s8] =	ssyncset.done $0x0  }
0x1a: {  	s0 =	simm.s32 $0x80;
	s2 =	rddreg [dreg:$0x3];
	[sflag:s8] =	ssyncadd.s32 $0xFFFFFF80  }
0x1b: {  	[tilespmem:s0], [sflag:$0x2] =	stream.linear.gather [hbm4b:s2+s1], $0x10000, $0x38;
	[tilespmem:$0x10080] =	vst v63  }
0x1c: {  	_ =	swait.ge [sflag:s8], $0x10000  }
0x1d: {  	[sflag:s8] =	ssyncset.done $0x0  }
0x1e: {  	[sflag:s8] =	ssyncadd.s32 $0xFFFF0000  }
0x1f: {  	v3 =	vld [tilespmem:$0x0];
	_ =	sdelay $0x4  }
0x20: {  	v4 =	vshll.u32 v3, $0x3  }
0x21: {  	v3 =	vand.u32 $0x7, v3;
	v4 =	vand.u32 $0xFFFFFFC0, v4  }
0x22: {  	v3 =	vor.u32 v3, v4  }
0x23: {  	v4 =	vperm.xlane v3, v0;
	_ =	sdelay $0x1  }
0x24: {  	v4 =	vadd.s32 v1, v4;
	_ =	sdelay $0x4  }
0x25: {  	[hbm4b:s3+s1] =	stream.indirect_vreg.scatter [tilespmem:s0], [sflag:$0x1], $0x80, v4, vm0, $0xb8;
	[tilespmem:$0x10080] =	vst v63  }
0x26: {  	v3 =	vperm.xlane v3, v2  }
0x27: {  	[hbm4b:s4+s1] =	stream.indirect_vreg.scatter [tilespmem:s20], [sflag:$0x1], $0x80, v4, vm0, $0xb8;
	[tilespmem:$0x10080] =	vst v63  }
0x28: {  	v3 =	vadd.s32 v1, v3  }
0x29: {  	[hbm4b:s5+s1] =	stream.indirect_vreg.scatter [tilespmem:s21], [sflag:$0x1], $0x80, v4, vm0, $0xb8;
	[tilespmem:$0x10080] =	vst v63  }
0x2a: {  	_ = 	snop  }
0x2b: {  	[hbm4b:s6+s1] =	stream.indirect_vreg.scatter [tilespmem:s22], [sflag:$0x1], $0x80, v4, vm0, $0xb8;
	[tilespmem:$0x10080] =	vst v63  }
0x2c: {  	_ = 	snop  }
0x2d: {  	[hbm4b:s3+s1] =	stream.indirect_vreg.scatter [tilespmem:s23], [sflag:$0x1], $0x80, v3, vm0, $0xb8;
	[tilespmem:$0x10080] =	vst v63  }
0x2e: {  	_ = 	snop  }
0x2f: {  	[hbm4b:s4+s1] =	stream.indirect_vreg.scatter [tilespmem:s24], [sflag:$0x1], $0x80, v3, vm0, $0xb8;
	[tilespmem:$0x10080] =	vst v63  }
0x30: {  	_ = 	snop  }
0x31: {  	[hbm4b:s5+s1] =	stream.indirect_vreg.scatter [tilespmem:s25], [sflag:$0x1], $0x80, v3, vm0, $0xb8;
	[tilespmem:$0x10080] =	vst v63  }
0x32: {  	_ = 	snop  }
0x33: {  	[hbm4b:s6+s1] =	stream.indirect_vreg.scatter [tilespmem:s26], [sflag:$0x1], $0x80, v3, vm0, $0xb8;
	[tilespmem:$0x10080] =	vst v63  }
0x34: {  	v3 =	vld [tilespmem:$0x10];
	_ =	sdelay $0x4  }
0x35: {  	v57 =	vshll.u32 v3, $0x3  }
0x36: {  	v3 =	vand.u32 $0x7, v3;
	v4 =	vand.u32 $0xFFFFFFC0, v57  }
0x37: {  	v3 =	vor.u32 v3, v4  }
0x38: {  	v4 =	vperm.xlane v3, v0;
	_ =	sdelay $0x1  }
0x39: {  	v4 =	vadd.s32 v1, v4;
	_ =	sdelay $0x4  }
0x3a: {  	[hbm4b:s3+s1] =	stream.indirect_vreg.scatter [tilespmem:s28], [sflag:$0x1], $0x80, v4, vm0, $0xb8;
	[tilespmem:$0x10080] =	vst v63  }
0x3b: {  	v3 =	vperm.xlane v3, v2  }
0x3c: {  	[hbm4b:s4+s1] =	stream.indirect_vreg.scatter [tilespmem:s29], [sflag:$0x1], $0x80, v4, vm0, $0xb8;
	[tilespmem:$0x10080] =	vst v63  }
0x3d: {  	v3 =	vadd.s32 v1, v3  }
0x3e: {  	[hbm4b:s5+s1] =	stream.indirect_vreg.scatter [tilespmem:s30], [sflag:$0x1], $0x80, v4, vm0, $0xb8;
	[tilespmem:$0x10080] =	vst v63  }
0x3f: {  	_ = 	snop  }
0x40: {  	[hbm4b:s6+s1] =	stream.indirect_vreg.scatter [tilespmem:s31], [sflag:$0x1], $0x80, v4, vm0, $0xb8;
	[tilespmem:$0x10080] =	vst v63  }
0x41: {  	s2 =	simm.s32 $0x6080  }
0x42: {  	[hbm4b:s3+s1] =	stream.indirect_vreg.scatter [tilespmem:s2], [sflag:$0x1], $0x80, v3, vm0, $0xb8;
	[tilespmem:$0x10080] =	vst v63  }
0x43: {  	s2 =	simm.s32 $0x6880  }
0x44: {  	[hbm4b:s4+s1] =	stream.indirect_vreg.scatter [tilespmem:s2], [sflag:$0x1], $0x80, v3, vm0, $0xb8;
	[tilespmem:$0x10080] =	vst v63  }
0x45: {  	_ = 	snop  }
0x46: {  	[hbm4b:s5+s1] =	stream.indirect_vreg.scatter [tilespmem:s10], [sflag:$0x1], $0x80, v3, vm0, $0xb8;
	[tilespmem:$0x10080] =	vst v63  }
0x47: {  	_ = 	snop  }
0x48: {  	[hbm4b:s6+s1] =	stream.indirect_vreg.scatter [tilespmem:s11], [sflag:$0x1], $0x80, v3, vm0, $0xb8;
	[tilespmem:$0x10080] =	vst v63  }
0x49: {  	v3 =	vld [tilespmem:$0x20];
	_ =	sdelay $0x4  }
0x4a: {  	v58 =	vshll.u32 v3, $0x3  }
0x4b: {  	v3 =	vand.u32 $0x7, v3;
	v4 =	vand.u32 $0xFFFFFFC0, v58  }
0x4c: {  	v3 =	vor.u32 v3, v4  }
0x4d: {  	v4 =	vperm.xlane v3, v0;
	_ =	sdelay $0x1  }
0x4e: {  	v4 =	vadd.s32 v1, v4;
	_ =	sdelay $0x4  }
0x4f: {  	[hbm4b:s3+s1] =	stream.indirect_vreg.scatter [tilespmem:s12], [sflag:$0x1], $0x80, v4, vm0, $0xb8;
	[tilespmem:$0x10080] =	vst v63  }
0x50: {  	v3 =	vperm.xlane v3, v2  }
0x51: {  	[hbm4b:s4+s1] =	stream.indirect_vreg.scatter [tilespmem:s13], [sflag:$0x1], $0x80, v4, vm0, $0xb8;
	[tilespmem:$0x10080] =	vst v63  }
0x52: {  	v3 =	vadd.s32 v1, v3  }
0x53: {  	[hbm4b:s5+s1] =	stream.indirect_vreg.scatter [tilespmem:s14], [sflag:$0x1], $0x80, v4, vm0, $0xb8;
	[tilespmem:$0x10080] =	vst v63  }
0x54: {  	_ = 	snop  }
0x55: {  	[hbm4b:s6+s1] =	stream.indirect_vreg.scatter [tilespmem:s15], [sflag:$0x1], $0x80, v4, vm0, $0xb8;
	[tilespmem:$0x10080] =	vst v63  }
0x56: {  	_ = 	snop  }
0x57: {  	[hbm4b:s3+s1] =	stream.indirect_vreg.scatter [tilespmem:s16], [sflag:$0x1], $0x80, v3, vm0, $0xb8;
	[tilespmem:$0x10080] =	vst v63  }
0x58: {  	_ = 	snop  }
0x59: {  	[hbm4b:s4+s1] =	stream.indirect_vreg.scatter [tilespmem:s17], [sflag:$0x1], $0x80, v3, vm0, $0xb8;
	[tilespmem:$0x10080] =	vst v63  }
0x5a: {  	_ = 	snop  }
0x5b: {  	[hbm4b:s5+s1] =	stream.indirect_vreg.scatter [tilespmem:s9], [sflag:$0x1], $0x80, v3, vm0, $0xb8;
	[tilespmem:$0x10080] =	vst v63  }
0x5c: {  	s19 =	simm.s32 $0xB880  }
0x5d: {  	[hbm4b:s6+s1] =	stream.indirect_vreg.scatter [tilespmem:s19], [sflag:$0x1], $0x80, v3, vm0, $0xb8;
	[tilespmem:$0x10080] =	vst v63  }
0x5e: {  	v3 =	vld [tilespmem:$0x30];
	_ =	sdelay $0x4  }
0x5f: {  	v59 =	vshll.u32 v3, $0x3  }
0x60: {  	v3 =	vand.u32 $0x7, v3;
	v4 =	vand.u32 $0xFFFFFFC0, v59  }
0x61: {  	v3 =	vor.u32 v3, v4  }
0x62: {  	v4 =	vperm.xlane v3, v0;
	_ =	sdelay $0x1  }
0x63: {  	v4 =	vadd.s32 v1, v4;
	_ =	sdelay $0x3  }
0x64: {  	s19 =	simm.s32 $0xC080  }
0x65: {  	[hbm4b:s3+s1] =	stream.indirect_vreg.scatter [tilespmem:s19], [sflag:$0x1], $0x80, v4, vm0, $0xb8;
	[tilespmem:$0x10080] =	vst v63  }
0x66: {  	v3 =	vperm.xlane v3, v2;
	s19 =	simm.s32 $0xC880  }
0x67: {  	[hbm4b:s4+s1] =	stream.indirect_vreg.scatter [tilespmem:s19], [sflag:$0x1], $0x80, v4, vm0, $0xb8;
	[tilespmem:$0x10080] =	vst v63  }
0x68: {  	v3 =	vadd.s32 v1, v3;
	s19 =	simm.s32 $0xD080  }
0x69: {  	[hbm4b:s5+s1] =	stream.indirect_vreg.scatter [tilespmem:s19], [sflag:$0x1], $0x80, v4, vm0, $0xb8;
	[tilespmem:$0x10080] =	vst v63  }
0x6a: {  	s19 =	simm.s32 $0xD880  }
0x6b: {  	[hbm4b:s6+s1] =	stream.indirect_vreg.scatter [tilespmem:s19], [sflag:$0x1], $0x80, v4, vm0, $0xb8;
	[tilespmem:$0x10080] =	vst v63  }
0x6c: {  	s19 =	simm.s32 $0xE080  }
0x6d: {  	[hbm4b:s3+s1] =	stream.indirect_vreg.scatter [tilespmem:s19], [sflag:$0x1], $0x80, v3, vm0, $0xb8;
	[tilespmem:$0x10080] =	vst v63  }
0x6e: {  	s19 =	simm.s32 $0xE880  }
0x6f: {  	[hbm4b:s4+s1] =	stream.indirect_vreg.scatter [tilespmem:s19], [sflag:$0x1], $0x80, v3, vm0, $0xb8;
	[tilespmem:$0x10080] =	vst v63  }
0x70: {  	s19 =	simm.s32 $0xF080  }
0x71: {  	[hbm4b:s5+s1] =	stream.indirect_vreg.scatter [tilespmem:s19], [sflag:$0x1], $0x80, v3, vm0, $0xb8;
	[tilespmem:$0x10080] =	vst v63  }
0x72: {  	s19 =	simm.s32 $0xF880  }
0x73: {  	[hbm4b:s6+s1] =	stream.indirect_vreg.scatter [tilespmem:s19], [sflag:$0x1], $0x80, v3, vm0, $0xb8;
	[tilespmem:$0x10080] =	vst v63  }
0x74: {  	_ =	swait.ge [sflag:s18], $0x10000  }
0x75: {  	[sflag:s18] =	ssyncset.done $0x0  }
0x76: {  	s19 =	rddreg [dreg:$0x4];
	[sflag:s18] =	ssyncadd.s32 $0xFFFF0000  }
0x77: {  	[tilespmem:s1], [sflag:$0x2] =	stream.linear.gather [hbm4b:s19+s1], $0x80, $0x38;
	[tilespmem:$0x10080] =	vst v63  }
0x78: {  	_ =	swait.ge [sflag:s8], $0x80  }
0x79: {  	[sflag:s8] =	ssyncset.done $0x0  }
0x7a: {  	s19 =	rddreg [dreg:$0x5];
	[sflag:s8] =	ssyncadd.s32 $0xFFFFFF80  }
0x7b: {  	[tilespmem:s0], [sflag:$0x2] =	stream.linear.gather [hbm4b:s19+s1], $0x10000, $0x38;
	[tilespmem:$0x10080] =	vst v63  }
0x7c: {  	_ =	swait.ge [sflag:s8], $0x10000  }
0x7d: {  	[sflag:s8] =	ssyncset.done $0x0  }
0x7e: {  	[sflag:s8] =	ssyncadd.s32 $0xFFFF0000  }
0x7f: {  	v3 =	vld [tilespmem:$0x0];
	_ =	sdelay $0x4  }
0x80: {  	v60 =	vshll.u32 v3, $0x3  }
0x81: {  	v3 =	vand.u32 $0x7, v3;
	v4 =	vand.u32 $0xFFFFFFC0, v60  }
0x82: {  	v3 =	vor.u32 v3, v4  }
0x83: {  	v4 =	vperm.xlane v3, v0;
	_ =	sdelay $0x1  }
0x84: {  	v4 =	vadd.s32 v1, v4;
	_ =	sdelay $0x4  }
0x85: {  	[hbm4b:s3+s1] =	stream.indirect_vreg.scatter [tilespmem:s0], [sflag:$0x1], $0x80, v4, vm0, $0xb8;
	[tilespmem:$0x10080] =	vst v63  }
0x86: {  	v3 =	vperm.xlane v3, v2  }
0x87: {  	[hbm4b:s4+s1] =	stream.indirect_vreg.scatter [tilespmem:s20], [sflag:$0x1], $0x80, v4, vm0, $0xb8;
	[tilespmem:$0x10080] =	vst v63  }
0x88: {  	v3 =	vadd.s32 v1, v3  }
0x89: {  	[hbm4b:s5+s1] =	stream.indirect_vreg.scatter [tilespmem:s21], [sflag:$0x1], $0x80, v4, vm0, $0xb8;
	[tilespmem:$0x10080] =	vst v63  }
0x8a: {  	_ = 	snop  }
0x8b: {  	[hbm4b:s6+s1] =	stream.indirect_vreg.scatter [tilespmem:s22], [sflag:$0x1], $0x80, v4, vm0, $0xb8;
	[tilespmem:$0x10080] =	vst v63  }
0x8c: {  	_ = 	snop  }
0x8d: {  	[hbm4b:s3+s1] =	stream.indirect_vreg.scatter [tilespmem:s23], [sflag:$0x1], $0x80, v3, vm0, $0xb8;
	[tilespmem:$0x10080] =	vst v63  }
0x8e: {  	_ = 	snop  }
0x8f: {  	[hbm4b:s4+s1] =	stream.indirect_vreg.scatter [tilespmem:s24], [sflag:$0x1], $0x80, v3, vm0, $0xb8;
	[tilespmem:$0x10080] =	vst v63  }
0x90: {  	_ = 	snop  }
0x91: {  	[hbm4b:s5+s1] =	stream.indirect_vreg.scatter [tilespmem:s25], [sflag:$0x1], $0x80, v3, vm0, $0xb8;
	[tilespmem:$0x10080] =	vst v63  }
0x92: {  	_ = 	snop  }
0x93: {  	[hbm4b:s6+s1] =	stream.indirect_vreg.scatter [tilespmem:s26], [sflag:$0x1], $0x80, v3, vm0, $0xb8;
	[tilespmem:$0x10080] =	vst v63  }
0x94: {  	v3 =	vld [tilespmem:$0x10];
	_ =	sdelay $0x4  }
0x95: {  	v61 =	vshll.u32 v3, $0x3  }
0x96: {  	v3 =	vand.u32 $0x7, v3;
	v4 =	vand.u32 $0xFFFFFFC0, v61  }
0x97: {  	v3 =	vor.u32 v3, v4  }
0x98: {  	v4 =	vperm.xlane v3, v0;
	_ =	sdelay $0x1  }
0x99: {  	v4 =	vadd.s32 v1, v4;
	_ =	sdelay $0x4  }
0x9a: {  	[hbm4b:s3+s1] =	stream.indirect_vreg.scatter [tilespmem:s28], [sflag:$0x1], $0x80, v4, vm0, $0xb8;
	[tilespmem:$0x10080] =	vst v63  }
0x9b: {  	v3 =	vperm.xlane v3, v2  }
0x9c: {  	[hbm4b:s4+s1] =	stream.indirect_vreg.scatter [tilespmem:s29], [sflag:$0x1], $0x80, v4, vm0, $0xb8;
	[tilespmem:$0x10080] =	vst v63  }
0x9d: {  	v3 =	vadd.s32 v1, v3  }
0x9e: {  	[hbm4b:s5+s1] =	stream.indirect_vreg.scatter [tilespmem:s30], [sflag:$0x1], $0x80, v4, vm0, $0xb8;
	[tilespmem:$0x10080] =	vst v63  }
0x9f: {  	_ = 	snop  }
0xa0: {  	[hbm4b:s6+s1] =	stream.indirect_vreg.scatter [tilespmem:s31], [sflag:$0x1], $0x80, v4, vm0, $0xb8;
	[tilespmem:$0x10080] =	vst v63  }
0xa1: {  	s19 =	simm.s32 $0x6080  }
0xa2: {  	[hbm4b:s3+s1] =	stream.indirect_vreg.scatter [tilespmem:s19], [sflag:$0x1], $0x80, v3, vm0, $0xb8;
	[tilespmem:$0x10080] =	vst v63  }
0xa3: {  	_ = 	snop  }
0xa4: {  	[hbm4b:s4+s1] =	stream.indirect_vreg.scatter [tilespmem:s2], [sflag:$0x1], $0x80, v3, vm0, $0xb8;
	[tilespmem:$0x10080] =	vst v63  }
0xa5: {  	_ = 	snop  }
0xa6: {  	[hbm4b:s5+s1] =	stream.indirect_vreg.scatter [tilespmem:s10], [sflag:$0x1], $0x80, v3, vm0, $0xb8;
	[tilespmem:$0x10080] =	vst v63  }
0xa7: {  	_ = 	snop  }
0xa8: {  	[hbm4b:s6+s1] =	stream.indirect_vreg.scatter [tilespmem:s11], [sflag:$0x1], $0x80, v3, vm0, $0xb8;
	[tilespmem:$0x10080] =	vst v63  }
0xa9: {  	v3 =	vld [tilespmem:$0x20];
	_ =	sdelay $0x4  }
0xaa: {  	v62 =	vshll.u32 v3, $0x3  }
0xab: {  	v3 =	vand.u32 $0x7, v3;
	v4 =	vand.u32 $0xFFFFFFC0, v62  }
0xac: {  	v3 =	vor.u32 v3, v4  }
0xad: {  	v4 =	vperm.xlane v3, v0;
	_ =	sdelay $0x1  }
0xae: {  	v4 =	vadd.s32 v1, v4;
	_ =	sdelay $0x4  }
0xaf: {  	[hbm4b:s3+s1] =	stream.indirect_vreg.scatter [tilespmem:s12], [sflag:$0x1], $0x80, v4, vm0, $0xb8;
	[tilespmem:$0x10080] =	vst v63  }
0xb0: {  	v3 =	vperm.xlane v3, v2  }
0xb1: {  	[hbm4b:s4+s1] =	stream.indirect_vreg.scatter [tilespmem:s13], [sflag:$0x1], $0x80, v4, vm0, $0xb8;
	[tilespmem:$0x10080] =	vst v63  }
0xb2: {  	v3 =	vadd.s32 v1, v3  }
0xb3: {  	[hbm4b:s5+s1] =	stream.indirect_vreg.scatter [tilespmem:s14], [sflag:$0x1], $0x80, v4, vm0, $0xb8;
	[tilespmem:$0x10080] =	vst v63  }
0xb4: {  	_ = 	snop  }
0xb5: {  	[hbm4b:s6+s1] =	stream.indirect_vreg.scatter [tilespmem:s15], [sflag:$0x1], $0x80, v4, vm0, $0xb8;
	[tilespmem:$0x10080] =	vst v63  }
0xb6: {  	_ = 	snop  }
0xb7: {  	[hbm4b:s3+s1] =	stream.indirect_vreg.scatter [tilespmem:s16], [sflag:$0x1], $0x80, v3, vm0, $0xb8;
	[tilespmem:$0x10080] =	vst v63  }
0xb8: {  	_ = 	snop  }
0xb9: {  	[hbm4b:s4+s1] =	stream.indirect_vreg.scatter [tilespmem:s17], [sflag:$0x1], $0x80, v3, vm0, $0xb8;
	[tilespmem:$0x10080] =	vst v63  }
0xba: {  	_ = 	snop  }
0xbb: {  	[hbm4b:s5+s1] =	stream.indirect_vreg.scatter [tilespmem:s9], [sflag:$0x1], $0x80, v3, vm0, $0xb8;
	[tilespmem:$0x10080] =	vst v63  }
0xbc: {  	s19 =	simm.s32 $0xB880  }
0xbd: {  	[hbm4b:s6+s1] =	stream.indirect_vreg.scatter [tilespmem:s19], [sflag:$0x1], $0x80, v3, vm0, $0xb8;
	[tilespmem:$0x10080] =	vst v63  }
0xbe: {  	v3 =	vld [tilespmem:$0x30];
	_ =	sdelay $0x4  }
0xbf: {  	v63 =	vshll.u32 v3, $0x3  }
0xc0: {  	v3 =	vand.u32 $0x7, v3;
	v4 =	vand.u32 $0xFFFFFFC0, v63  }
0xc1: {  	v3 =	vor.u32 v3, v4  }
0xc2: {  	v4 =	vperm.xlane v3, v0;
	_ =	sdelay $0x1  }
0xc3: {  	v4 =	vadd.s32 v1, v4;
	_ =	sdelay $0x3  }
0xc4: {  	s2 =	simm.s32 $0xC080  }
0xc5: {  	[hbm4b:s3+s1] =	stream.indirect_vreg.scatter [tilespmem:s2], [sflag:$0x1], $0x80, v4, vm0, $0xb8;
	[tilespmem:$0x10080] =	vst v63  }
0xc6: {  	s19 =	simm.s32 $0xC880;
	v3 =	vperm.xlane v3, v2  }
0xc7: {  	[hbm4b:s4+s1] =	stream.indirect_vreg.scatter [tilespmem:s19], [sflag:$0x1], $0x80, v4, vm0, $0xb8;
	[tilespmem:$0x10080] =	vst v63  }
0xc8: {  	v3 =	vadd.s32 v1, v3;
	s2 =	simm.s32 $0xD080  }
0xc9: {  	[hbm4b:s5+s1] =	stream.indirect_vreg.scatter [tilespmem:s2], [sflag:$0x1], $0x80, v4, vm0, $0xb8;
	[tilespmem:$0x10080] =	vst v63  }
0xca: {  	s19 =	simm.s32 $0xD880  }
0xcb: {  	[hbm4b:s6+s1] =	stream.indirect_vreg.scatter [tilespmem:s19], [sflag:$0x1], $0x80, v4, vm0, $0xb8;
	[tilespmem:$0x10080] =	vst v63  }
0xcc: {  	s2 =	simm.s32 $0xE080  }
0xcd: {  	[hbm4b:s3+s1] =	stream.indirect_vreg.scatter [tilespmem:s2], [sflag:$0x1], $0x80, v3, vm0, $0xb8;
	[tilespmem:$0x10080] =	vst v63  }
0xce: {  	s19 =	simm.s32 $0xE880  }
0xcf: {  	[hbm4b:s4+s1] =	stream.indirect_vreg.scatter [tilespmem:s19], [sflag:$0x1], $0x80, v3, vm0, $0xb8;
	[tilespmem:$0x10080] =	vst v63  }
0xd0: {  	p0 =	sne.s32 s7, $0x1;
	s2 =	simm.s32 $0xF080  }
0xd1: {  	[hbm4b:s5+s1] =	stream.indirect_vreg.scatter [tilespmem:s2], [sflag:$0x1], $0x80, v3, vm0, $0xb8;
	[tilespmem:$0x10080] =	vst v63  }
.Ltmp0:
0xd2: {  	s19 =	simm.s32 $0xF880;
	(pc) =	sbr.rel @p0 .LBB2_1-.Ltmp0, $4  }
0xd3: {  	[hbm4b:s6+s1] =	stream.indirect_vreg.scatter [tilespmem:s19], [sflag:$0x1], $0x80, v3, vm0, $0xb8;
	[tilespmem:$0x10080] =	vst v63  }
0xd4: {  	_ =	swait.ge [sflag:s18], $0x10000  }
0xd5: {  	[sflag:s18] =	ssyncset.done $0x0  }
0xd6: {  	s7 =	sadd.s32 $0xFFFFFFFF, s7;
	[sflag:s18] =	ssyncadd.s32 $0xFFFF0000  }
0xd7: {  	_ =	sfence.sel $0x180000  }
0xd8: {  	[bflag:$0x0] =	sbarrier.arrive $0xFFFF  }
0xd9: {  	_ =	strace $0x90000047  }
0xda: {  	s0 =	stileid.u32;
	[bflag:$0x2] =	sbarrier.arrive $0xFFFF  }
0xdb: {  	p0 =	sne.s32 s0, $0x0;
	s0 =	rddreg [dreg:$0x1]  }
0xdc: {  	s0 =	sadd.s32 @!p0 $0x100000, s0  }
0xdd: {  	[sflag:s0] =	ssyncadd.tile.s32 @!p0 $0x1;
	_ =	shalt  }
.Lfunc_end2:
_tile_overlayer_lowered:
.L_overlay_start_2:
0xde: {  	(tag) =	ssettag $0x2  }
0xdf: {  	s0 =	rddreg [dreg:$0x0];
	s2 =	stileid.u32  }
0xe0: {  	s1 =	rddreg [dreg:$0x1];
	p0 =	sne.s32 s2, $0x0  }
0xe1: {  	s3 =	rddreg [dreg:$0x2];
	[bflag:$0x3] =	sbarrier.arrive $0xFFFF;
	s2 =	simm.s32 @!p0 $0x1C02  }
0xe2: {  	[timem:s3], [sflag:s2] =	dma.local @!p0 [hbm:s0], s1  }
0xe3: {  	s0 =	simm.s32 @!p0 $0x2  }
0xe4: {  	_ =	swait.ge @!p0 [sflag:s0], s1  }
0xe5: {  	s1 =	ssub.s32 @!p0 $0x0, s1;
	[sflag:s0] =	ssyncset.done @!p0 $0x0  }
0xe6: {  	[sflag:s0] =	ssyncadd.s32 @!p0 s1  }
0xe7: {  	[bflag:$0x3] =	sbarrier.arrive $0xFFFF  }
0xe8: {  	_ =	shalt  }

// kernel: kernel.13.cloned.1.call-start
scs
__scs_entry_jumppad:
0x0: {  	(pc) =	sbr.rel $0x88, $3  }
0x1: {  	(tag) =	ssettag $0x0;
	lr =	simm.s32 $0x1  }
0x2: {  	[smem:$0x3F91] =	sst lr;
	_ =	strace $0xD0000000  }
0x3: {  	_ = 	snop  }
0x4: {  	_ = 	snop  }
0x5: {  	_ = 	snop  }
0x6: {  	_ = 	snop  }
0x7: {  	_ = 	snop  }
__scs_overlays_trampoline_lowered:
0x8: {  	[smem:$0x3FA0] =	sst s0  }
0x9: {  	[smem:$0x3FA1] =	sst s1  }
0xa: {  	[smem:$0x3FA2] =	sst s2  }
0xb: {  	[smem:$0x3FA3] =	sst s3  }
0xc: {  	[smem:$0x3FA4] =	sst s4  }
0xd: {  	[smem:$0x3FA5] =	sst s5  }
0xe: {  	[smem:$0x3FA6] =	sst s6  }
0xf: {  	[smem:$0x3FA7] =	sst s7  }
0x10: {  	[smem:$0x3FA8] =	sst s8  }
0x11: {  	[smem:$0x3FA9] =	sst s9;
	s0 =	simm.s32 @!p0 $0x0  }
0x12: {  	s1 =	sld [smem:$0x3F8F];
	s0 =	simm.s32 @p0 $0x1  }
0x13: {  	[smem:$0x3FAA] =	sst s0;
	s0 =	simm.s32 @!p1 $0x0  }
0x14: {  	s2 =	sld [smem:$0x3F8E];
	s0 =	simm.s32 @p1 $0x1  }
0x15: {  	[smem:$0x3FAB] =	sst s0;
	s0 =	simm.s32 @!p2 $0x0  }
0x16: {  	s3 =	sld [smem:$0x3FDB];
	s0 =	simm.s32 @p2 $0x1  }
0x17: {  	s4 =	simm.s32 $0x1BF5;
	[smem:$0x3FAD] =	sst s0  }
0x18: {  	s0 =	sld [smem:$0x3F90];
	_ =	swait.ge [sflag:s4], $0x0  }
0x19: {  	s7 =	sld [smem:$0x3F91]  }
0x1a: {  	s8 =	sadd.s32 $0xFFFFE003, lr  }
0x1b: {  	s9 =	sadd.s32 $0xFFFFFEF7, lr;
	s5 =	simm.s32 $0xFFFFFFFF;
	p2 =	slt.u32 s8, $0xFFFFF086  }
0x1c: {  	p1 =	slt.u32 s9, $0xF7A;
	s5 =	simm.s32 @!p2 $0x0  }
0x1d: {  	s5 =	simm.s32 @p1 $0x1;
	p0 =	seq.s32 s7, s2  }
0x1e: {  	s7 =	smul.u32 @!p0 $0xF7A, s2;
	p2 =	seq.s32 @!p0 s5, $0x0  }
0x1f: {  	s9 =	smul.u32 $0xF7A, s1;
	s8 =	simm.s32 @!p0 $0x1BF5;
	p2 =	por !p2, p0  }
0x20: {  	[sflag:s8] =	ssyncset.s32 @!p0 $0xFFFFF086;
	s6 =	sadd.s32 @!p0 s3, s7;
	s7 =	simm.s32 @!p0 $0x108  }
0x21: {  	s3 =	sadd.s32 s3, s9;
	s6 =	sadd.s32 @!p0 $0x88, s6;
	s7 =	simm.s32 @p2 $0x1082  }
0x22: {  	[simem:s7], [sflag:s8] =	dma.local @!p0 [hbm:s6], $0xF7A  }
0x23: {  	s9 =	sor.u32 $0xD0000000, s2;
	s6 =	simm.s32 $0x108;
	_ =	swait.ge @!p0 [sflag:s8], $0x0  }
0x24: {  	s3 =	sadd.s32 $0x88, s3;
	s6 =	simm.s32 @!p1 $0x1082;
	[sflag:s4] =	ssyncset.s32 $0xFFFFF086  }
0x25: {  	[simem:s6], [sflag:s4] =	dma.local [hbm:s3], $0xF7A  }
0x26: {  	[smem:$0x3F91] =	sst s1;
	(tag) =	ssettag s2;
	_ =	strace s9  }
0x27: {  	s1 =	sld [smem:$0x3FA1]  }
0x28: {  	s2 =	sld [smem:$0x3FA2]  }
0x29: {  	s4 =	sld [smem:$0x3FA4]  }
0x2a: {  	p0 =	seq.s32 s5, $0x0;
	s5 =	sld [smem:$0x3FA5]  }
0x2b: {  	s6 =	sld [smem:$0x3FA6]  }
0x2c: {  	s7 =	sld [smem:$0x3FA7]  }
0x2d: {  	s3 =	simm.s32 $0x108;
	s8 =	sld [smem:$0x3FA8]  }
0x2e: {  	s3 =	simm.s32 @!p0 $0x1082;
	s9 =	sld [smem:$0x3FA9]  }
0x2f: {  	lr =	sadd.s32 s0, s3;
	s0 =	sld [smem:$0x3FA0]  }
0x30: {  	s3 =	sld [smem:$0x3FA3]  }
0x31: {  	[smem:$0x3FAC] =	sst s10  }
0x32: {  	s10 =	sld [smem:$0x3FAA];
	_ =	sdelay $0x3  }
0x33: {  	p0 =	seq.s32 s10, $0x1;
	s10 =	sld [smem:$0x3FAC];
	_ =	sdelay $0x3  }
0x34: {  	[smem:$0x3FAC] =	sst s10  }
0x35: {  	s10 =	sld [smem:$0x3FAB];
	_ =	sdelay $0x3  }
0x36: {  	p1 =	seq.s32 s10, $0x1;
	s10 =	sld [smem:$0x3FAC];
	_ =	sdelay $0x3  }
0x37: {  	[smem:$0x3FAC] =	sst s10  }
0x38: {  	s10 =	sld [smem:$0x3FAD]  }
0x39: {  	_ = 	snop;
	(pc) =	sbr.ind lr, $3  }
0x3a: {  	_ = 	snop  }
0x3b: {  	_ = 	snop  }
0x3c: {  	p2 =	seq.s32 s10, $0x1;
	s10 =	sld [smem:$0x3FAC]  }
0x3d: {  	_ =	shalt  }
0x3e: {  	_ =	shalt  }
0x3f: {  	_ =	shalt  }
0x40: {  	_ =	shalt  }
0x41: {  	_ =	shalt  }
0x42: {  	_ =	shalt  }
0x43: {  	_ =	shalt  }
0x44: {  	_ =	shalt  }
0x45: {  	_ =	shalt  }
0x46: {  	_ =	shalt  }
0x47: {  	_ =	shalt  }
0x48: {  	_ =	shalt  }
0x49: {  	_ =	shalt  }
0x4a: {  	_ =	shalt  }
0x4b: {  	_ =	shalt  }
0x4c: {  	_ =	shalt  }
0x4d: {  	_ =	shalt  }
0x4e: {  	_ =	shalt  }
0x4f: {  	_ =	shalt  }
0x50: {  	_ =	shalt  }
0x51: {  	_ =	shalt  }
0x52: {  	_ =	shalt  }
0x53: {  	_ =	shalt  }
0x54: {  	_ =	shalt  }
0x55: {  	_ =	shalt  }
0x56: {  	_ =	shalt  }
0x57: {  	_ =	shalt  }
0x58: {  	_ =	shalt  }
0x59: {  	_ =	shalt  }
0x5a: {  	_ =	shalt  }
0x5b: {  	_ =	shalt  }
0x5c: {  	_ =	shalt  }
0x5d: {  	_ =	shalt  }
0x5e: {  	_ =	shalt  }
0x5f: {  	_ =	shalt  }
0x60: {  	_ =	shalt  }
0x61: {  	_ =	shalt  }
0x62: {  	_ =	shalt  }
0x63: {  	_ =	shalt  }
0x64: {  	_ =	shalt  }
0x65: {  	_ =	shalt  }
0x66: {  	_ =	shalt  }
0x67: {  	_ =	shalt  }
0x68: {  	_ =	shalt  }
0x69: {  	_ =	shalt  }
0x6a: {  	_ =	shalt  }
0x6b: {  	_ =	shalt  }
0x6c: {  	_ =	shalt  }
0x6d: {  	_ =	shalt  }
0x6e: {  	_ =	shalt  }
0x6f: {  	_ =	shalt  }
0x70: {  	_ =	shalt  }
0x71: {  	_ =	shalt  }
0x72: {  	_ =	shalt  }
0x73: {  	_ =	shalt  }
0x74: {  	_ =	shalt  }
0x75: {  	_ =	shalt  }
0x76: {  	_ =	shalt  }
0x77: {  	_ =	shalt  }
0x78: {  	_ =	shalt  }
0x79: {  	_ =	shalt  }
0x7a: {  	_ =	shalt  }
0x7b: {  	_ =	shalt  }
0x7c: {  	_ =	shalt  }
0x7d: {  	_ =	shalt  }
0x7e: {  	_ =	shalt  }
0x7f: {  	_ =	shalt  }
0x80: {  	_ =	shalt  }
0x81: {  	_ =	shalt  }
0x82: {  	_ =	shalt  }
0x83: {  	_ =	shalt  }
0x84: {  	_ =	shalt  }
0x85: {  	_ =	shalt  }
0x86: {  	_ =	shalt  }
0x87: {  	_ =	shalt  }
.Lfunc_end0:
.L_simem_size_0:
called_computation.1_lowered:
.L_overlay_start_0:
0x88: {  	s2 =	sld [smem:$0x3FD9]  }
0x89: {  	s3 =	sld [smem:$0x3FFE];
	_ =	sdelay $0x1  }
0x8a: {  	s1 =	srdreg.scid  }
0x8b: {  	s0 =	sand.u32 $0x1, s1  }
0x8c: {  	s16 =	sshll.u32 s0, $0xA;
	s2 =	sadd.s32 s3, s2  }
0x8d: {  	s2 =	sadd.s32 s2, s16  }
0x8e: {  	[smem:$0x3FB8] =	sst s2  }
0x8f: {  	_ = 	snop  }
0x90: {  	(tm) =	ssettm $0x1  }
0x91: {  	s17 =	sld [smem:$0x3FFB];
	_ =	sdelay $0x3  }
0x92: {  	_ =	strace s17  }
0x93: {  	s2 =	sld [smem:$0x3FFC];
	_ =	sdelay $0x3  }
0x94: {  	_ =	strace s2  }
0x95: {  	s2 =	sld [smem:$0x3FFD];
	_ =	sdelay $0x3  }
0x96: {  	_ =	strace s2  }
0x97: {  	_ =	strace $0x8FFFFFFF  }
0x98: {  	s18 =	sld [smem:$0x3FDB];
	_ =	sdelay $0x1  }
0x99: {  	s19 =	simm.s32 $_scs_section_size  }
0x9a: {  	s4 =	simm.s32 $_size__tile_overlayer_lowered;
	s5 =	simm.s32 $_tile_overlayer_lowered  }
0x9b: {  	s22 =	simm.s32 $0x1BFF;
	s21 =	sshll.u32 s5, $0x1;
	s2 =	sadd.s32 s19, s18  }
0x9c: {  	s6 =	simm.s32 $0x0;
	s20 =	sshll.u32 s4, $0x1;
	s4 =	sadd.s32 s21, s2  }
0x9d: {  	[timem:s6], [sflag:s22] =	dma.local [hbm:s4], s20  }
0x9e: {  	_ =	swait.ge [sflag:s22], s20  }
0x9f: {  	s3 =	ssub.s32 $0x0, s20;
	[sflag:s22] =	ssyncset.done $0x0  }
0xa0: {  	[sflag:s22] =	ssyncadd.s32 s3;
	_ =	sdelay $0x1  }
0xa1: {  	s23 =	simm.s32 $0x1B8B  }
0xa2: {  	_ =	swait.ge [sflag:s23], $0x1  }
0xa3: {  	[sflag:s23] =	ssyncset.done $0x0  }
0xa4: {  	s25 =	simm.s32 $0x1B8E;
	s24 =	sld [smem:$0x3FFE];
	[sflag:s23] =	ssyncadd.s32 $0xFFFFFFFF  }
0xa5: {  	s26 =	simm.s32 $execute0_lowered;
	[smem:$0x3FD2] =	sst s25  }
0xa6: {  	s4 =	sshll.u32 s26, $0x1;
	_ =	strace $0x80000049;
	[dreg:$0x1] =	wrdreg $0xFFFFFFFF  }
0xa7: {  	s28 =	simm.s32 $_size_execute0_lowered;
	s2 =	sadd.s32 s2, s4;
	[dreg:$0x0] =	wrdreg $0x0  }
0xa8: {  	s4 =	sshll.u32 s28, $0x1;
	[dreg:$0x2] =	wrdreg s2  }
0xa9: {  	[dreg:$0x3] =	wrdreg s4  }
0xaa: {  	[dreg:$0x4] =	wrdreg $0xC0  }
0xab: {  	_ =	task [dreg:s6], $0x5FFFF  }
0xac: {  	[dreg:$0x1] =	wrdreg $0xFFFFFFFF  }
0xad: {  	[dreg:$0x0] =	wrdreg $0x60  }
0xae: {  	[dreg:$0x2] =	wrdreg s24  }
0xaf: {  	[dreg:$0x3] =	wrdreg $0x9  }
0xb0: {  	_ =	task.clear_ibuf [dreg:s6], $0x4FFFF;
	_ =	strace $0x90000049  }
0xb1: {  	s29 =	simm.s32 $0x9;
	_ =	strace $0x8000004B  }
0xb2: {  	_ =	swait.ge [sflag:s29], $0x1  }
0xb3: {  	[sflag:s29] =	ssyncadd.s32 $0xFFFFFFFF  }
0xb4: {  	_ =	strace $0x9000004B  }
0xb5: {  	_ =	sfence  }
0xb6: {  	s30 =	sld [smem:$0x0];
	_ =	sdelay $0x2  }
0xb7: {  	s31 =	sshll.u32 s1, $0xD;
	s1 =	sshrl.u32 s1, $0x2  }
0xb8: {  	s3 =	sand.u32 $0x4000, s31;
	s1 =	sadd.s32 s1, s30  }
0xb9: {  	s0 =	sor.u32 s3, s0;
	s1 =	sshll.u32 s1, $0x11  }
0xba: {  	s0 =	sor.u32 s1, s0  }
0xbb: {  	s0 =	sadd.s32 $0x8F2B, s0  }
0xbc: {  	[sflag:s0] =	ssyncadd.remote.s32 $0x1  }
0xbd: {  	_ =	sfence.sel $0xFFFF  }
0xbe: {  	[dreg:$0x0] =	wrdreg $0xFFFFFFFF;
	(pc) =	sbr.abs _section_cstart, $3  }
0xbf: {  	[dreg:$0x1] =	wrdreg $0xFFFFFFFF  }
0xc0: {  	_ =	task.clear_ibuf [dreg:s6], $0x2FFFF;
	_ =	strace $0x9FFFFFFF  }
0xc1: {  	(tm) =	ssettm $0x7FFFFFFF  }
tec
execute0_lowered:
.L_overlay_start_1:
0x0: {  	(tag) =	ssettag $0x1  }
0x1: {  	s0 =	rddreg [dreg:$0x0];
	s1 =	simm.s32 $0x0  }
0x2: {  	s2 =	srdreg.scid;
	s8 =	stileid.u32;
	s18 =	simm.s32 $0x1  }
0x3: {  	s20 =	simm.s32 $0x880;
	s28 =	simm.s32 $0x4080;
	s29 =	simm.s32 $0x4880  }
0x4: {  	s30 =	simm.s32 $0x5080;
	s31 =	simm.s32 $0x5880;
	s12 =	simm.s32 $0x8080  }
0x5: {  	s13 =	simm.s32 $0x8880;
	s14 =	simm.s32 $0x9080;
	s15 =	simm.s32 $0x9880  }
0x6: {  	s16 =	simm.s32 $0xA080;
	s17 =	simm.s32 $0xA880;
	[smem:$0x7FF] =	sst s1  }
0x7: {  	s3 =	sadd.s32 $0x1DB400, s0;
	s6 =	sadd.s32 $0x5B000, s0;
	s2 =	sand.u32 $0x1, s2  }
0x8: {  	s4 =	sshll.u32 s8, $0x1;
	s7 =	sadd.s32 $0x5B400, s0;
	s8 =	sshll.u32 s8, $0x6  }
0x9: {  	_ =	strace $0x8000004A;
	s5 =	ssub.s32 $0x2, s2;
	s2 =	sor.u32 s2, s4  }
0xa: {  	s8 =	sand.u32 $0x380, s8;
	s4 =	sadd.s32 $0x1DB500, s0;
	s21 =	sshrl.u32 s5, $0x1  }
0xb: {  	s9 =	sshll.u32 s2, $0x5;
	s23 =	sshllo.u32 s2, $0x1;
	s2 =	sshll.u32 s2, $0xE  }
0xc: {  	s10 =	ssub.s32 s5, s21;
	s22 =	sadd.s32 s6, s9;
	s5 =	sadd.s32 $0x1DB600, s0  }
0xd: {  	s11 =	sshll.u32 s23, $0x4;
	s2 =	sadd.s32 s7, s2;
	s6 =	sadd.s32 s6, s8  }
0xe: {  	s25 =	sshll.u32 s23, $0xD;
	s8 =	simm.s32 $0x2;
	s21 =	simm.s32 $0x1080  }
0xf: {  	s23 =	simm.s32 $0x2080;
	s9 =	simm.s32 $0xB080;
	[dreg:$0x2] =	wrdreg s22  }
0x10: {  	s11 =	sand.u32 $0x70, s11;
	[dreg:$0x3] =	wrdreg s2;
	s26 =	sadd.s32 s7, s25  }
0x11: {  	s7 =	smax.u32 s10, $0x1;
	s22 =	simm.s32 $0x1880;
	s25 =	simm.s32 $0x3080  }
0x12: {  	v2 =	vlaneseq.u32;
	s10 =	simm.s32 $0x7080;
	s24 =	sadd.s32 s11, s6;
	s6 =	sadd.s32 $0x1DB700, s0  }
0x13: {  	vm0 =	vmmov $0xffff;
	v1 =	vshrl.u32 v2, $0x3;
	[dreg:$0x5] =	wrdreg s26;
	s0 =	simm.s32 $0x80;
	s26 =	simm.s32 $0x3880  }
0x14: {  	v0 =	vand.u32 $0x7, v2;
	v2 =	vor.u32 $0x8, v2;
	v1 =	vmul.u32 $0x8, v1;
	s11 =	simm.s32 $0x7880;
	[dreg:$0x4] =	wrdreg s24;
	s24 =	simm.s32 $0x2880  }
.LBB2_1:
0x15: {  	s19 =	rddreg [dreg:$0x2]  }
0x16: {  	[tilespmem:s1], [sflag:$0x2] =	stream.linear.gather [hbm4b:s19+s1], $0x80, $0x38;
	[tilespmem:$0x10080] =	vst v63  }
0x17: {  	_ =	swait.ge [sflag:s8], $0x80  }
0x18: {  	[sflag:s8] =	ssyncset.done $0x0  }
0x19: {  	[sflag:s8] =	ssyncadd.s32 $0xFFFFFF80  }
0x1a: {  	v3 =	vld [tilespmem:$0x0];
	_ =	sdelay $0x4  }
0x1b: {  	v4 =	vshll.u32 v3, $0x3  }
0x1c: {  	v3 =	vand.u32 $0x7, v3;
	v4 =	vand.u32 $0xFFFFFFC0, v4  }
0x1d: {  	v3 =	vor.u32 v3, v4  }
0x1e: {  	v4 =	vperm.xlane v3, v0;
	_ =	sdelay $0x1  }
0x1f: {  	v4 =	vadd.s32 v1, v4;
	_ =	sdelay $0x4  }
0x20: {  	[tilespmem:s0], [sflag:$0x1] =	stream.indirect_vreg.gather [hbm4b:s3+s1], $0x80, v4, vm0, $0xb8;
	[tilespmem:$0x10080] =	vst v63  }
0x21: {  	v3 =	vperm.xlane v3, v2  }
0x22: {  	[tilespmem:s20], [sflag:$0x1] =	stream.indirect_vreg.gather [hbm4b:s4+s1], $0x80, v4, vm0, $0xb8;
	[tilespmem:$0x10080] =	vst v63  }
0x23: {  	v3 =	vadd.s32 v1, v3  }
0x24: {  	[tilespmem:s21], [sflag:$0x1] =	stream.indirect_vreg.gather [hbm4b:s5+s1], $0x80, v4, vm0, $0xb8;
	[tilespmem:$0x10080] =	vst v63  }
0x25: {  	_ = 	snop  }
0x26: {  	[tilespmem:s22], [sflag:$0x1] =	stream.indirect_vreg.gather [hbm4b:s6+s1], $0x80, v4, vm0, $0xb8;
	[tilespmem:$0x10080] =	vst v63  }
0x27: {  	_ = 	snop  }
0x28: {  	[tilespmem:s23], [sflag:$0x1] =	stream.indirect_vreg.gather [hbm4b:s3+s1], $0x80, v3, vm0, $0xb8;
	[tilespmem:$0x10080] =	vst v63  }
0x29: {  	_ = 	snop  }
0x2a: {  	[tilespmem:s24], [sflag:$0x1] =	stream.indirect_vreg.gather [hbm4b:s4+s1], $0x80, v3, vm0, $0xb8;
	[tilespmem:$0x10080] =	vst v63  }
0x2b: {  	_ = 	snop  }
0x2c: {  	[tilespmem:s25], [sflag:$0x1] =	stream.indirect_vreg.gather [hbm4b:s5+s1], $0x80, v3, vm0, $0xb8;
	[tilespmem:$0x10080] =	vst v63  }
0x2d: {  	_ = 	snop  }
0x2e: {  	[tilespmem:s26], [sflag:$0x1] =	stream.indirect_vreg.gather [hbm4b:s6+s1], $0x80, v3, vm0, $0xb8;
	[tilespmem:$0x10080] =	vst v63  }
0x2f: {  	v3 =	vld [tilespmem:$0x10];
	_ =	sdelay $0x4  }
0x30: {  	v57 =	vshll.u32 v3, $0x3  }
0x31: {  	v3 =	vand.u32 $0x7, v3;
	v4 =	vand.u32 $0xFFFFFFC0, v57  }
0x32: {  	v3 =	vor.u32 v3, v4  }
0x33: {  	v4 =	vperm.xlane v3, v0;
	_ =	sdelay $0x1  }
0x34: {  	v4 =	vadd.s32 v1, v4;
	_ =	sdelay $0x4  }
0x35: {  	[tilespmem:s28], [sflag:$0x1] =	stream.indirect_vreg.gather [hbm4b:s3+s1], $0x80, v4, vm0, $0xb8;
	[tilespmem:$0x10080] =	vst v63  }
0x36: {  	v3 =	vperm.xlane v3, v2  }
0x37: {  	[tilespmem:s29], [sflag:$0x1] =	stream.indirect_vreg.gather [hbm4b:s4+s1], $0x80, v4, vm0, $0xb8;
	[tilespmem:$0x10080] =	vst v63  }
0x38: {  	v3 =	vadd.s32 v1, v3  }
0x39: {  	[tilespmem:s30], [sflag:$0x1] =	stream.indirect_vreg.gather [hbm4b:s5+s1], $0x80, v4, vm0, $0xb8;
	[tilespmem:$0x10080] =	vst v63  }
0x3a: {  	_ = 	snop  }
0x3b: {  	[tilespmem:s31], [sflag:$0x1] =	stream.indirect_vreg.gather [hbm4b:s6+s1], $0x80, v4, vm0, $0xb8;
	[tilespmem:$0x10080] =	vst v63  }
0x3c: {  	s2 =	simm.s32 $0x6080  }
0x3d: {  	[tilespmem:s2], [sflag:$0x1] =	stream.indirect_vreg.gather [hbm4b:s3+s1], $0x80, v3, vm0, $0xb8;
	[tilespmem:$0x10080] =	vst v63  }
0x3e: {  	s2 =	simm.s32 $0x6880  }
0x3f: {  	[tilespmem:s2], [sflag:$0x1] =	stream.indirect_vreg.gather [hbm4b:s4+s1], $0x80, v3, vm0, $0xb8;
	[tilespmem:$0x10080] =	vst v63  }
0x40: {  	_ = 	snop  }
0x41: {  	[tilespmem:s10], [sflag:$0x1] =	stream.indirect_vreg.gather [hbm4b:s5+s1], $0x80, v3, vm0, $0xb8;
	[tilespmem:$0x10080] =	vst v63  }
0x42: {  	_ = 	snop  }
0x43: {  	[tilespmem:s11], [sflag:$0x1] =	stream.indirect_vreg.gather [hbm4b:s6+s1], $0x80, v3, vm0, $0xb8;
	[tilespmem:$0x10080] =	vst v63  }
0x44: {  	v3 =	vld [tilespmem:$0x20];
	_ =	sdelay $0x4  }
0x45: {  	v58 =	vshll.u32 v3, $0x3  }
0x46: {  	v3 =	vand.u32 $0x7, v3;
	v4 =	vand.u32 $0xFFFFFFC0, v58  }
0x47: {  	v3 =	vor.u32 v3, v4  }
0x48: {  	v4 =	vperm.xlane v3, v0;
	_ =	sdelay $0x1  }
0x49: {  	v4 =	vadd.s32 v1, v4;
	_ =	sdelay $0x4  }
0x4a: {  	[tilespmem:s12], [sflag:$0x1] =	stream.indirect_vreg.gather [hbm4b:s3+s1], $0x80, v4, vm0, $0xb8;
	[tilespmem:$0x10080] =	vst v63  }
0x4b: {  	v3 =	vperm.xlane v3, v2  }
0x4c: {  	[tilespmem:s13], [sflag:$0x1] =	stream.indirect_vreg.gather [hbm4b:s4+s1], $0x80, v4, vm0, $0xb8;
	[tilespmem:$0x10080] =	vst v63  }
0x4d: {  	v3 =	vadd.s32 v1, v3  }
0x4e: {  	[tilespmem:s14], [sflag:$0x1] =	stream.indirect_vreg.gather [hbm4b:s5+s1], $0x80, v4, vm0, $0xb8;
	[tilespmem:$0x10080] =	vst v63  }
0x4f: {  	_ = 	snop  }
0x50: {  	[tilespmem:s15], [sflag:$0x1] =	stream.indirect_vreg.gather [hbm4b:s6+s1], $0x80, v4, vm0, $0xb8;
	[tilespmem:$0x10080] =	vst v63  }
0x51: {  	_ = 	snop  }
0x52: {  	[tilespmem:s16], [sflag:$0x1] =	stream.indirect_vreg.gather [hbm4b:s3+s1], $0x80, v3, vm0, $0xb8;
	[tilespmem:$0x10080] =	vst v63  }
0x53: {  	_ = 	snop  }
0x54: {  	[tilespmem:s17], [sflag:$0x1] =	stream.indirect_vreg.gather [hbm4b:s4+s1], $0x80, v3, vm0, $0xb8;
	[tilespmem:$0x10080] =	vst v63  }
0x55: {  	_ = 	snop  }
0x56: {  	[tilespmem:s9], [sflag:$0x1] =	stream.indirect_vreg.gather [hbm4b:s5+s1], $0x80, v3, vm0, $0xb8;
	[tilespmem:$0x10080] =	vst v63  }
0x57: {  	s19 =	simm.s32 $0xB880  }
0x58: {  	[tilespmem:s19], [sflag:$0x1] =	stream.indirect_vreg.gather [hbm4b:s6+s1], $0x80, v3, vm0, $0xb8;
	[tilespmem:$0x10080] =	vst v63  }
0x59: {  	v3 =	vld [tilespmem:$0x30];
	_ =	sdelay $0x4  }
0x5a: {  	v59 =	vshll.u32 v3, $0x3  }
0x5b: {  	v3 =	vand.u32 $0x7, v3;
	v4 =	vand.u32 $0xFFFFFFC0, v59  }
0x5c: {  	v3 =	vor.u32 v3, v4  }
0x5d: {  	v4 =	vperm.xlane v3, v0;
	_ =	sdelay $0x1  }
0x5e: {  	v4 =	vadd.s32 v1, v4;
	_ =	sdelay $0x3  }
0x5f: {  	s19 =	simm.s32 $0xC080  }
0x60: {  	[tilespmem:s19], [sflag:$0x1] =	stream.indirect_vreg.gather [hbm4b:s3+s1], $0x80, v4, vm0, $0xb8;
	[tilespmem:$0x10080] =	vst v63  }
0x61: {  	v3 =	vperm.xlane v3, v2;
	s19 =	simm.s32 $0xC880  }
0x62: {  	[tilespmem:s19], [sflag:$0x1] =	stream.indirect_vreg.gather [hbm4b:s4+s1], $0x80, v4, vm0, $0xb8;
	[tilespmem:$0x10080] =	vst v63  }
0x63: {  	v3 =	vadd.s32 v1, v3;
	s19 =	simm.s32 $0xD080  }
0x64: {  	[tilespmem:s19], [sflag:$0x1] =	stream.indirect_vreg.gather [hbm4b:s5+s1], $0x80, v4, vm0, $0xb8;
	[tilespmem:$0x10080] =	vst v63  }
0x65: {  	s19 =	simm.s32 $0xD880  }
0x66: {  	[tilespmem:s19], [sflag:$0x1] =	stream.indirect_vreg.gather [hbm4b:s6+s1], $0x80, v4, vm0, $0xb8;
	[tilespmem:$0x10080] =	vst v63  }
0x67: {  	s19 =	simm.s32 $0xE080  }
0x68: {  	[tilespmem:s19], [sflag:$0x1] =	stream.indirect_vreg.gather [hbm4b:s3+s1], $0x80, v3, vm0, $0xb8;
	[tilespmem:$0x10080] =	vst v63  }
0x69: {  	s19 =	simm.s32 $0xE880  }
0x6a: {  	[tilespmem:s19], [sflag:$0x1] =	stream.indirect_vreg.gather [hbm4b:s4+s1], $0x80, v3, vm0, $0xb8;
	[tilespmem:$0x10080] =	vst v63  }
0x6b: {  	s19 =	simm.s32 $0xF080  }
0x6c: {  	[tilespmem:s19], [sflag:$0x1] =	stream.indirect_vreg.gather [hbm4b:s5+s1], $0x80, v3, vm0, $0xb8;
	[tilespmem:$0x10080] =	vst v63  }
0x6d: {  	s19 =	simm.s32 $0xF880  }
0x6e: {  	[tilespmem:s19], [sflag:$0x1] =	stream.indirect_vreg.gather [hbm4b:s6+s1], $0x80, v3, vm0, $0xb8;
	[tilespmem:$0x10080] =	vst v63  }
0x6f: {  	_ =	swait.ge [sflag:s18], $0x10000  }
0x70: {  	[sflag:s18] =	ssyncset.done $0x0  }
0x71: {  	s19 =	rddreg [dreg:$0x3];
	[sflag:s18] =	ssyncadd.s32 $0xFFFF0000  }
0x72: {  	[hbm4b:s19+s1] =	stream.linear.scatter [tilespmem:s0], [sflag:$0x2], $0x10000, $0x38;
	[tilespmem:$0x10080] =	vst v63  }
0x73: {  	_ =	swait.ge [sflag:s8], $0x10000  }
0x74: {  	[sflag:s8] =	ssyncset.done $0x0  }
0x75: {  	s19 =	rddreg [dreg:$0x4];
	[sflag:s8] =	ssyncadd.s32 $0xFFFF0000  }
0x76: {  	[tilespmem:s1], [sflag:$0x2] =	stream.linear.gather [hbm4b:s19+s1], $0x80, $0x38;
	[tilespmem:$0x10080] =	vst v63  }
0x77: {  	_ =	swait.ge [sflag:s8], $0x80  }
0x78: {  	[sflag:s8] =	ssyncset.done $0x0  }
0x79: {  	[sflag:s8] =	ssyncadd.s32 $0xFFFFFF80  }
0x7a: {  	v3 =	vld [tilespmem:$0x0];
	_ =	sdelay $0x4  }
0x7b: {  	v60 =	vshll.u32 v3, $0x3  }
0x7c: {  	v3 =	vand.u32 $0x7, v3;
	v4 =	vand.u32 $0xFFFFFFC0, v60  }
0x7d: {  	v3 =	vor.u32 v3, v4  }
0x7e: {  	v4 =	vperm.xlane v3, v0;
	_ =	sdelay $0x1  }
0x7f: {  	v4 =	vadd.s32 v1, v4;
	_ =	sdelay $0x4  }
0x80: {  	[tilespmem:s0], [sflag:$0x1] =	stream.indirect_vreg.gather [hbm4b:s3+s1], $0x80, v4, vm0, $0xb8;
	[tilespmem:$0x10080] =	vst v63  }
0x81: {  	v3 =	vperm.xlane v3, v2  }
0x82: {  	[tilespmem:s20], [sflag:$0x1] =	stream.indirect_vreg.gather [hbm4b:s4+s1], $0x80, v4, vm0, $0xb8;
	[tilespmem:$0x10080] =	vst v63  }
0x83: {  	v3 =	vadd.s32 v1, v3  }
0x84: {  	[tilespmem:s21], [sflag:$0x1] =	stream.indirect_vreg.gather [hbm4b:s5+s1], $0x80, v4, vm0, $0xb8;
	[tilespmem:$0x10080] =	vst v63  }
0x85: {  	_ = 	snop  }
0x86: {  	[tilespmem:s22], [sflag:$0x1] =	stream.indirect_vreg.gather [hbm4b:s6+s1], $0x80, v4, vm0, $0xb8;
	[tilespmem:$0x10080] =	vst v63  }
0x87: {  	_ = 	snop  }
0x88: {  	[tilespmem:s23], [sflag:$0x1] =	stream.indirect_vreg.gather [hbm4b:s3+s1], $0x80, v3, vm0, $0xb8;
	[tilespmem:$0x10080] =	vst v63  }
0x89: {  	_ = 	snop  }
0x8a: {  	[tilespmem:s24], [sflag:$0x1] =	stream.indirect_vreg.gather [hbm4b:s4+s1], $0x80, v3, vm0, $0xb8;
	[tilespmem:$0x10080] =	vst v63  }
0x8b: {  	_ = 	snop  }
0x8c: {  	[tilespmem:s25], [sflag:$0x1] =	stream.indirect_vreg.gather [hbm4b:s5+s1], $0x80, v3, vm0, $0xb8;
	[tilespmem:$0x10080] =	vst v63  }
0x8d: {  	_ = 	snop  }
0x8e: {  	[tilespmem:s26], [sflag:$0x1] =	stream.indirect_vreg.gather [hbm4b:s6+s1], $0x80, v3, vm0, $0xb8;
	[tilespmem:$0x10080] =	vst v63  }
0x8f: {  	v3 =	vld [tilespmem:$0x10];
	_ =	sdelay $0x4  }
0x90: {  	v61 =	vshll.u32 v3, $0x3  }
0x91: {  	v3 =	vand.u32 $0x7, v3;
	v4 =	vand.u32 $0xFFFFFFC0, v61  }
0x92: {  	v3 =	vor.u32 v3, v4  }
0x93: {  	v4 =	vperm.xlane v3, v0;
	_ =	sdelay $0x1  }
0x94: {  	v4 =	vadd.s32 v1, v4;
	_ =	sdelay $0x4  }
0x95: {  	[tilespmem:s28], [sflag:$0x1] =	stream.indirect_vreg.gather [hbm4b:s3+s1], $0x80, v4, vm0, $0xb8;
	[tilespmem:$0x10080] =	vst v63  }
0x96: {  	v3 =	vperm.xlane v3, v2  }
0x97: {  	[tilespmem:s29], [sflag:$0x1] =	stream.indirect_vreg.gather [hbm4b:s4+s1], $0x80, v4, vm0, $0xb8;
	[tilespmem:$0x10080] =	vst v63  }
0x98: {  	v3 =	vadd.s32 v1, v3  }
0x99: {  	[tilespmem:s30], [sflag:$0x1] =	stream.indirect_vreg.gather [hbm4b:s5+s1], $0x80, v4, vm0, $0xb8;
	[tilespmem:$0x10080] =	vst v63  }
0x9a: {  	_ = 	snop  }
0x9b: {  	[tilespmem:s31], [sflag:$0x1] =	stream.indirect_vreg.gather [hbm4b:s6+s1], $0x80, v4, vm0, $0xb8;
	[tilespmem:$0x10080] =	vst v63  }
0x9c: {  	s19 =	simm.s32 $0x6080  }
0x9d: {  	[tilespmem:s19], [sflag:$0x1] =	stream.indirect_vreg.gather [hbm4b:s3+s1], $0x80, v3, vm0, $0xb8;
	[tilespmem:$0x10080] =	vst v63  }
0x9e: {  	_ = 	snop  }
0x9f: {  	[tilespmem:s2], [sflag:$0x1] =	stream.indirect_vreg.gather [hbm4b:s4+s1], $0x80, v3, vm0, $0xb8;
	[tilespmem:$0x10080] =	vst v63  }
0xa0: {  	_ = 	snop  }
0xa1: {  	[tilespmem:s10], [sflag:$0x1] =	stream.indirect_vreg.gather [hbm4b:s5+s1], $0x80, v3, vm0, $0xb8;
	[tilespmem:$0x10080] =	vst v63  }
0xa2: {  	_ = 	snop  }
0xa3: {  	[tilespmem:s11], [sflag:$0x1] =	stream.indirect_vreg.gather [hbm4b:s6+s1], $0x80, v3, vm0, $0xb8;
	[tilespmem:$0x10080] =	vst v63  }
0xa4: {  	v3 =	vld [tilespmem:$0x20];
	_ =	sdelay $0x4  }
0xa5: {  	v62 =	vshll.u32 v3, $0x3  }
0xa6: {  	v3 =	vand.u32 $0x7, v3;
	v4 =	vand.u32 $0xFFFFFFC0, v62  }
0xa7: {  	v3 =	vor.u32 v3, v4  }
0xa8: {  	v4 =	vperm.xlane v3, v0;
	_ =	sdelay $0x1  }
0xa9: {  	v4 =	vadd.s32 v1, v4;
	_ =	sdelay $0x4  }
0xaa: {  	[tilespmem:s12], [sflag:$0x1] =	stream.indirect_vreg.gather [hbm4b:s3+s1], $0x80, v4, vm0, $0xb8;
	[tilespmem:$0x10080] =	vst v63  }
0xab: {  	v3 =	vperm.xlane v3, v2  }
0xac: {  	[tilespmem:s13], [sflag:$0x1] =	stream.indirect_vreg.gather [hbm4b:s4+s1], $0x80, v4, vm0, $0xb8;
	[tilespmem:$0x10080] =	vst v63  }
0xad: {  	v3 =	vadd.s32 v1, v3  }
0xae: {  	[tilespmem:s14], [sflag:$0x1] =	stream.indirect_vreg.gather [hbm4b:s5+s1], $0x80, v4, vm0, $0xb8;
	[tilespmem:$0x10080] =	vst v63  }
0xaf: {  	_ = 	snop  }
0xb0: {  	[tilespmem:s15], [sflag:$0x1] =	stream.indirect_vreg.gather [hbm4b:s6+s1], $0x80, v4, vm0, $0xb8;
	[tilespmem:$0x10080] =	vst v63  }
0xb1: {  	_ = 	snop  }
0xb2: {  	[tilespmem:s16], [sflag:$0x1] =	stream.indirect_vreg.gather [hbm4b:s3+s1], $0x80, v3, vm0, $0xb8;
	[tilespmem:$0x10080] =	vst v63  }
0xb3: {  	_ = 	snop  }
0xb4: {  	[tilespmem:s17], [sflag:$0x1] =	stream.indirect_vreg.gather [hbm4b:s4+s1], $0x80, v3, vm0, $0xb8;
	[tilespmem:$0x10080] =	vst v63  }
0xb5: {  	_ = 	snop  }
0xb6: {  	[tilespmem:s9], [sflag:$0x1] =	stream.indirect_vreg.gather [hbm4b:s5+s1], $0x80, v3, vm0, $0xb8;
	[tilespmem:$0x10080] =	vst v63  }
0xb7: {  	s19 =	simm.s32 $0xB880  }
0xb8: {  	[tilespmem:s19], [sflag:$0x1] =	stream.indirect_vreg.gather [hbm4b:s6+s1], $0x80, v3, vm0, $0xb8;
	[tilespmem:$0x10080] =	vst v63  }
0xb9: {  	v3 =	vld [tilespmem:$0x30];
	_ =	sdelay $0x4  }
0xba: {  	v63 =	vshll.u32 v3, $0x3  }
0xbb: {  	v3 =	vand.u32 $0x7, v3;
	v4 =	vand.u32 $0xFFFFFFC0, v63  }
0xbc: {  	v3 =	vor.u32 v3, v4  }
0xbd: {  	v4 =	vperm.xlane v3, v0;
	_ =	sdelay $0x1  }
0xbe: {  	v4 =	vadd.s32 v1, v4;
	_ =	sdelay $0x3  }
0xbf: {  	s19 =	simm.s32 $0xC080  }
0xc0: {  	[tilespmem:s19], [sflag:$0x1] =	stream.indirect_vreg.gather [hbm4b:s3+s1], $0x80, v4, vm0, $0xb8;
	[tilespmem:$0x10080] =	vst v63  }
0xc1: {  	v3 =	vperm.xlane v3, v2;
	s19 =	simm.s32 $0xC880  }
0xc2: {  	[tilespmem:s19], [sflag:$0x1] =	stream.indirect_vreg.gather [hbm4b:s4+s1], $0x80, v4, vm0, $0xb8;
	[tilespmem:$0x10080] =	vst v63  }
0xc3: {  	v3 =	vadd.s32 v1, v3;
	s19 =	simm.s32 $0xD080  }
0xc4: {  	[tilespmem:s19], [sflag:$0x1] =	stream.indirect_vreg.gather [hbm4b:s5+s1], $0x80, v4, vm0, $0xb8;
	[tilespmem:$0x10080] =	vst v63  }
0xc5: {  	s19 =	simm.s32 $0xD880  }
0xc6: {  	[tilespmem:s19], [sflag:$0x1] =	stream.indirect_vreg.gather [hbm4b:s6+s1], $0x80, v4, vm0, $0xb8;
	[tilespmem:$0x10080] =	vst v63  }
0xc7: {  	s19 =	simm.s32 $0xE080  }
0xc8: {  	[tilespmem:s19], [sflag:$0x1] =	stream.indirect_vreg.gather [hbm4b:s3+s1], $0x80, v3, vm0, $0xb8;
	[tilespmem:$0x10080] =	vst v63  }
0xc9: {  	s19 =	simm.s32 $0xE880  }
0xca: {  	[tilespmem:s19], [sflag:$0x1] =	stream.indirect_vreg.gather [hbm4b:s4+s1], $0x80, v3, vm0, $0xb8;
	[tilespmem:$0x10080] =	vst v63  }
0xcb: {  	s19 =	simm.s32 $0xF080  }
0xcc: {  	[tilespmem:s19], [sflag:$0x1] =	stream.indirect_vreg.gather [hbm4b:s5+s1], $0x80, v3, vm0, $0xb8;
	[tilespmem:$0x10080] =	vst v63  }
0xcd: {  	s19 =	simm.s32 $0xF880  }
0xce: {  	[tilespmem:s19], [sflag:$0x1] =	stream.indirect_vreg.gather [hbm4b:s6+s1], $0x80, v3, vm0, $0xb8;
	[tilespmem:$0x10080] =	vst v63  }
0xcf: {  	_ =	swait.ge [sflag:s18], $0x10000  }
0xd0: {  	p0 =	sne.s32 s7, $0x1;
	[sflag:s18] =	ssyncset.done $0x0  }
.Ltmp0:
0xd1: {  	s2 =	rddreg [dreg:$0x5];
	[sflag:s18] =	ssyncadd.s32 $0xFFFF0000;
	(pc) =	sbr.rel @p0 .LBB2_1-.Ltmp0, $4  }
0xd2: {  	[hbm4b:s2+s1] =	stream.linear.scatter [tilespmem:s0], [sflag:$0x2], $0x10000, $0x38;
	[tilespmem:$0x10080] =	vst v63  }
0xd3: {  	_ =	swait.ge [sflag:s8], $0x10000  }
0xd4: {  	[sflag:s8] =	ssyncset.done $0x0  }
0xd5: {  	s7 =	sadd.s32 $0xFFFFFFFF, s7;
	[sflag:s8] =	ssyncadd.s32 $0xFFFF0000  }
0xd6: {  	_ =	sfence.sel $0x180000  }
0xd7: {  	[bflag:$0x0] =	sbarrier.arrive $0xFFFF  }
0xd8: {  	_ =	strace $0x9000004A  }
0xd9: {  	s0 =	stileid.u32;
	[bflag:$0x2] =	sbarrier.arrive $0xFFFF  }
0xda: {  	p0 =	sne.s32 s0, $0x0;
	s0 =	rddreg [dreg:$0x1]  }
0xdb: {  	s0 =	sadd.s32 @!p0 $0x100000, s0  }
0xdc: {  	[sflag:s0] =	ssyncadd.tile.s32 @!p0 $0x1;
	_ =	shalt  }
.Lfunc_end2:
_tile_overlayer_lowered:
.L_overlay_start_2:
0xdd: {  	(tag) =	ssettag $0x2  }
0xde: {  	s0 =	rddreg [dreg:$0x0];
	s2 =	stileid.u32  }
0xdf: {  	s1 =	rddreg [dreg:$0x1];
	p0 =	sne.s32 s2, $0x0  }
0xe0: {  	s3 =	rddreg [dreg:$0x2];
	[bflag:$0x3] =	sbarrier.arrive $0xFFFF;
	s2 =	simm.s32 @!p0 $0x1C02  }
0xe1: {  	[timem:s3], [sflag:s2] =	dma.local @!p0 [hbm:s0], s1  }
0xe2: {  	s0 =	simm.s32 @!p0 $0x2  }
0xe3: {  	_ =	swait.ge @!p0 [sflag:s0], s1  }
0xe4: {  	s1 =	ssub.s32 @!p0 $0x0, s1;
	[sflag:s0] =	ssyncset.done @!p0 $0x0  }
0xe5: {  	[sflag:s0] =	ssyncadd.s32 @!p0 s1  }
0xe6: {  	[bflag:$0x3] =	sbarrier.arrive $0xFFFF  }
0xe7: {  	_ =	shalt  }

</sc_bundles>
